<compile_context>
chip_gen: v7x
topology: tpu7x:2x2x1
jax: 0.10.2.dev20260603
libtpu: 0.0.44.dev20260713+nightly
codegen_flags: <defaults>
</compile_context>

<pallas_src>
import functools

import jax
import jax.numpy as jnp
import numpy as np
from jax import lax
from jax.experimental import pallas as pl
from jax.experimental.pallas import tpu as pltpu
from jax.experimental.pallas import tpu_sc as plsc

PL = 64
NC = 16
DIM = 3
IN_CH = 3
OUT_CH = 13
B = 2
N = 8192
NPTS = [2048, 1024, 256, 64, 16, 8]
KSPEC = [("cv0", 0, 0, 16), ("cv1", 0, 1, 16), ("cv2", 1, 2, 16),
         ("cv3", 2, 3, 16), ("cv4", 3, 4, 8), ("cv5", 4, 5, 8),
         ("cv6", 5, 6, 4), ("cv5d", 6, 5, 4), ("cv4d", 5, 4, 4),
         ("cv3d", 4, 3, 4), ("cv2d", 3, 2, 8), ("cv1d", 2, 1, 8),
         ("cv0d", 1, 0, 8)]


def _pts_pyramid(input_pts):
    pts = [input_pts]
    for npts in NPTS:
        n = pts[-1].shape[1]
        sel = jnp.arange(npts) * (n // npts)
        pts.append(pts[-1][:, sel])
    return pts


def _knn_body(K, NR, q_ref, r_ref, o_ref):
    q = q_ref[0]
    r = r_ref[0]
    qn = jnp.sum(q * q, axis=1, keepdims=True)
    rn = jnp.transpose(jnp.sum(r * r, axis=1, keepdims=True))
    qr = jax.lax.dot_general(q.astype(jnp.bfloat16), r.astype(jnp.bfloat16),
                             (((1,), (1,)), ((), ())),
                             preferred_element_type=jnp.float32)
    d = qn + rn - 2.0 * qr
    iota = jax.lax.broadcasted_iota(jnp.int32, d.shape, 1)
    cols = []
    for _ in range(K):
        g = jnp.min(d, axis=1, keepdims=True)
        am = jnp.min(jnp.where(d == g, iota, NR), axis=1, keepdims=True)
        cols.append(am)
        d = jnp.where(iota == am, jnp.inf, d)
    o_ref[0] = jnp.concatenate(cols, axis=1)


def _knn(q, r, K):
    Bq, M, _ = q.shape
    NR = r.shape[1]
    TM = 128 if NR >= 2048 else min(M, 512)
    return pl.pallas_call(
        functools.partial(_knn_body, K, NR),
        grid=(Bq, M // TM),
        in_specs=[pl.BlockSpec((1, TM, DIM), lambda b, i: (b, i, 0)),
                  pl.BlockSpec((1, NR, DIM), lambda b, i: (b, 0, 0))],
        out_specs=pl.BlockSpec((1, TM, K), lambda b, i: (b, i, 0)),
        out_shape=jax.ShapeDtypeStruct((Bq, M, K), jnp.int32),
    )(q, r)


def _bf(x):
    return x.astype(jnp.bfloat16)


def _dot(a, b):
    return jax.lax.dot_general(_bf(a), _bf(b), (((1,), (0,)), ((), ())),
                               preferred_element_type=jnp.float32)


def _dot_exact(a, b):
    return jax.lax.dot_general(a, b, (((1,), (0,)), ((), ())),
                               preferred_element_type=jnp.float32,
                               precision=jax.lax.Precision.HIGHEST)


def _sc_gather2(table_a, table_b, idx):
    Da = table_a.shape[1]
    Db = table_b.shape[1]
    R = idx.shape[0]
    info = plsc.get_sparse_core_info()
    NCOR, NS = info.num_cores, info.num_subcores
    NW = NCOR * NS
    b_per_w = R // NW
    C = min(b_per_w, max(8, (80000 // (Da + Db)) // 8 * 8))
    while b_per_w % C:
        C -= 8
    n_chunks = b_per_w // C
    mesh = plsc.VectorSubcoreMesh(core_axis_name="c", subcore_axis_name="s")

    @functools.partial(
        pl.kernel, mesh=mesh,
        compiler_params=pltpu.CompilerParams(use_tc_tiling_on_sc=False),
        out_type=(jax.ShapeDtypeStruct((R, Da), jnp.float32),
                  jax.ShapeDtypeStruct((R, Db), jnp.float32)),
        scratch_types=[
            pltpu.VMEM((C,), jnp.int32),
            pltpu.VMEM((C, Da), jnp.float32),
            pltpu.VMEM((C, Db), jnp.float32),
            pltpu.SemaphoreType.DMA,
            pltpu.SemaphoreType.DMA,
        ],
    )
    def k(ta_hbm, tb_hbm, idx_hbm, oa_hbm, ob_hbm, idx_v, ra_v, rb_v,
          sem_a, sem_b):
        wid = lax.axis_index("s") * NCOR + lax.axis_index("c")
        base = wid * b_per_w

        def body(g):
            off = base + g * C
            pltpu.sync_copy(idx_hbm.at[pl.ds(off, C)], idx_v)
            cp_a = pltpu.async_copy(ta_hbm.at[idx_v], ra_v, sem_a)
            cp_b = pltpu.async_copy(tb_hbm.at[idx_v], rb_v, sem_b)
            cp_a.wait()
            cp_b.wait()
            pltpu.sync_copy(ra_v, oa_hbm.at[pl.ds(off, C)])
            pltpu.sync_copy(rb_v, ob_hbm.at[pl.ds(off, C)])

        pl.loop(0, n_chunks)(body)

    return k(table_a, table_b, idx)


def _pad16(a):
    D = a.shape[-1]
    Dp = max(16, -(-D // 16) * 16)
    if Dp == D:
        return a
    return jnp.pad(a, [(0, 0)] * (a.ndim - 1) + [(0, Dp - D)])


def _ptconv_body_g(K, cin, cout, gx_ref, gp_ref, pout_ref, cflat_ref,
                   l1w_ref, l1b_ref, l2w_ref, l2b_ref, l3w_ref, l3b_ref,
                   wt_ref, o_ref):
    pout = pout_ref[0]
    TM = pout.shape[0]

    io48r = jax.lax.broadcasted_iota(jnp.int32, (16, DIM * NC), 0)
    io48c = jax.lax.broadcasted_iota(jnp.int32, (16, DIM * NC), 1)
    R3 = (io48c // NC == io48r).astype(jnp.float32)
    ionr = jax.lax.broadcasted_iota(jnp.int32, (NC, NC * cin), 0)
    ionc = jax.lax.broadcasted_iota(jnp.int32, (NC, NC * cin), 1)
    Rn = (ionc // cin == ionr).astype(jnp.float32)

    feats = []
    ptss = []
    maxn2 = jnp.full((TM, 1), -jnp.inf, jnp.float32)
    for k in range(K):
        f_k = gx_ref[k]
        if f_k.shape[1] != cin:
            f_k = f_k[:, :cin]
        pts_k = gp_ref[k] - pout
        n2 = jnp.sum(pts_k * pts_k, axis=1, keepdims=True)
        maxn2 = jnp.maximum(maxn2, n2)
        feats.append(f_k)
        ptss.append(pts_k)

    maxi = jnp.sqrt(maxn2)
    maxi = jnp.where(maxi == 0.0, 1.0, maxi)

    racc = jnp.zeros((TM, NC * cin), jnp.float32)
    for k in range(K):
        pts_n = ptss[k] / maxi
        d0 = _dot_exact(pts_n, R3) - cflat_ref[...]
        h = jnp.maximum(_dot(d0, l1w_ref[...]) + l1b_ref[...], 0.0)
        h = jnp.maximum(_dot(h, l2w_ref[...]) + l2b_ref[...], 0.0)
        h = jnp.maximum(_dot(h, l3w_ref[...]) + l3b_ref[...], 0.0)
        h_b = _bf(h).astype(jnp.float32)
        f_b = _bf(feats[k]).astype(jnp.float32)
        d_rep = jax.lax.dot_general(_bf(h_b), _bf(Rn),
                                    (((1,), (0,)), ((), ())),
                                    preferred_element_type=jnp.float32)
        f_til = jnp.concatenate([f_b] * NC, axis=1)
        racc = racc + d_rep * f_til

    o_ref[0] = _dot(racc, wt_ref[...]) / K


def _ptconv_sc(p, x, pin, pout, idx, K):
    Bq, NR, cin = x.shape
    M = pout.shape[1]
    cout = p["w"].shape[2]
    TM = min(M, 256)
    wt = jnp.transpose(p["w"], (1, 0, 2)).reshape(NC * cin, cout)
    cflat = p["c"].reshape(1, DIM * NC)

    offs = (jnp.arange(Bq, dtype=jnp.int32) * NR)[:, None, None]
    idxg = jnp.transpose(idx + offs, (0, 2, 1)).reshape(-1)
    gx, gp = _sc_gather2(_pad16(x.reshape(Bq * NR, cin)),
                         _pad16(pin.reshape(Bq * NR, DIM)), idxg)
    Dx = gx.shape[1]
    gx = gx.reshape(Bq * K, M, Dx)
    gp = gp.reshape(Bq * K, M, 16)
    pout_p = _pad16(pout)

    full = lambda s: pl.BlockSpec(s, lambda b, i: (0, 0))
    return pl.pallas_call(
        functools.partial(_ptconv_body_g, K, cin, cout),
        grid=(Bq, M // TM),
        in_specs=[pl.BlockSpec((K, TM, Dx), lambda b, i: (b, i, 0)),
                  pl.BlockSpec((K, TM, 16), lambda b, i: (b, i, 0)),
                  pl.BlockSpec((1, TM, 16), lambda b, i: (b, i, 0)),
                  full((1, DIM * NC)),
                  full((DIM * NC, 2 * NC)), full((1, 2 * NC)),
                  full((2 * NC, NC)), full((1, NC)),
                  full((NC, NC)), full((1, NC)),
                  full((NC * cin, cout))],
        out_specs=pl.BlockSpec((1, TM, cout), lambda b, i: (b, i, 0)),
        out_shape=jax.ShapeDtypeStruct((Bq, M, cout), jnp.float32),
    )(gx, gp, pout_p, cflat,
      p["l1w"], p["l1b"].reshape(1, -1),
      p["l2w"], p["l2b"].reshape(1, -1),
      p["l3w"], p["l3b"].reshape(1, -1), wt)


def _ptconv_body(K, cin, cout, NR, x_ref, pin_ref, pout_ref, idx_ref,
                 cflat_ref, l1w_ref, l1b_ref, l2w_ref, l2b_ref, l3w_ref,
                 l3b_ref, wt_ref, o_ref):
    xs = x_ref[0]
    pins = pin_ref[0]
    pout = pout_ref[0]
    idx = idx_ref[0]
    TM = pout.shape[0]

    io48r = jax.lax.broadcasted_iota(jnp.int32, (DIM, DIM * NC), 0)
    io48c = jax.lax.broadcasted_iota(jnp.int32, (DIM, DIM * NC), 1)
    R3 = (io48c // NC == io48r).astype(jnp.float32)
    ionr = jax.lax.broadcasted_iota(jnp.int32, (NC, NC * cin), 0)
    ionc = jax.lax.broadcasted_iota(jnp.int32, (NC, NC * cin), 1)
    Rn = (ionc // cin == ionr).astype(jnp.float32)

    iota_n = jax.lax.broadcasted_iota(jnp.int32, (TM, NR), 1)
    feats = []
    ptss = []
    maxn2 = jnp.full((TM, 1), -jnp.inf, jnp.float32)
    for k in range(K):
        oh = (iota_n == idx[:, k:k + 1]).astype(jnp.float32)
        f_k = _dot_exact(oh, xs)
        pg_k = _dot_exact(oh, pins)
        pts_k = pg_k - pout
        n2 = jnp.sum(pts_k * pts_k, axis=1, keepdims=True)
        maxn2 = jnp.maximum(maxn2, n2)
        feats.append(f_k)
        ptss.append(pts_k)

    maxi = jnp.sqrt(maxn2)
    maxi = jnp.where(maxi == 0.0, 1.0, maxi)

    racc = jnp.zeros((TM, NC * cin), jnp.float32)
    for k in range(K):
        pts_n = ptss[k] / maxi
        d0 = _dot_exact(pts_n, R3) - cflat_ref[...]
        h = jnp.maximum(_dot(d0, l1w_ref[...]) + l1b_ref[...], 0.0)
        h = jnp.maximum(_dot(h, l2w_ref[...]) + l2b_ref[...], 0.0)
        h = jnp.maximum(_dot(h, l3w_ref[...]) + l3b_ref[...], 0.0)
        h_b = _bf(h).astype(jnp.float32)
        f_b = _bf(feats[k]).astype(jnp.float32)
        d_rep = jax.lax.dot_general(_bf(h_b), _bf(Rn),
                                    (((1,), (0,)), ((), ())),
                                    preferred_element_type=jnp.float32)
        f_til = jnp.concatenate([f_b] * NC, axis=1)
        racc = racc + d_rep * f_til

    o_ref[0] = _dot(racc, wt_ref[...]) / K


def _ptconv(p, x, pin, pout, idx, K):
    if (x.shape[0] * K * pout.shape[1]) % 256 == 0:
        return _ptconv_sc(p, x, pin, pout, idx, K)
    return _ptconv_oh(p, x, pin, pout, idx, K)


def _ptconv_oh(p, x, pin, pout, idx, K):
    Bq, M, cin = x.shape[0], pout.shape[1], x.shape[2]
    NR = x.shape[1]
    cout = p["w"].shape[2]
    TM = min(M, 128)
    wt = jnp.transpose(p["w"], (1, 0, 2)).reshape(NC * cin, cout)
    cflat = p["c"].reshape(1, DIM * NC)
    full = lambda s: pl.BlockSpec(s, lambda b, i: (0, 0))
    return pl.pallas_call(
        functools.partial(_ptconv_body, K, cin, cout, NR),
        grid=(Bq, M // TM),
        in_specs=[pl.BlockSpec((1, NR, cin), lambda b, i: (b, 0, 0)),
                  pl.BlockSpec((1, NR, DIM), lambda b, i: (b, 0, 0)),
                  pl.BlockSpec((1, TM, DIM), lambda b, i: (b, i, 0)),
                  pl.BlockSpec((1, TM, K), lambda b, i: (b, i, 0)),
                  full((1, DIM * NC)),
                  full((DIM * NC, 2 * NC)), full((1, 2 * NC)),
                  full((2 * NC, NC)), full((1, NC)),
                  full((NC, NC)), full((1, NC)),
                  full((NC * cin, cout))],
        out_specs=pl.BlockSpec((1, TM, cout), lambda b, i: (b, i, 0)),
        out_shape=jax.ShapeDtypeStruct((Bq, M, cout), jnp.float32),
    )(x, pin, pout, idx, cflat,
      p["l1w"], p["l1b"].reshape(1, -1),
      p["l2w"], p["l2b"].reshape(1, -1),
      p["l3w"], p["l3b"].reshape(1, -1), wt)


def _bn_relu_body(eps, x_ref, g_ref, b_ref, o_ref):
    xv = x_ref[...]
    m = jnp.mean(xv, axis=0, keepdims=True)
    xm = xv - m
    v = jnp.mean(xm * xm, axis=0, keepdims=True)
    y = (g_ref[...] * xm) / jnp.sqrt(v + eps) + b_ref[...]
    o_ref[...] = jnp.maximum(y, 0.0)


def _bn_relu(x3, bp, eps=1e-5):
    Bq, M, C = x3.shape
    x2 = x3.reshape(Bq * M, C)
    y = pl.pallas_call(
        functools.partial(_bn_relu_body, eps),
        out_shape=jax.ShapeDtypeStruct((Bq * M, C), jnp.float32),
        in_specs=[pl.BlockSpec((Bq * M, C), lambda: (0, 0)),
                  pl.BlockSpec((1, C), lambda: (0, 0)),
                  pl.BlockSpec((1, C), lambda: (0, 0))],
        out_specs=pl.BlockSpec((Bq * M, C), lambda: (0, 0)),
    )(x2, bp["g"].reshape(1, -1), bp["b"].reshape(1, -1))
    return y.reshape(Bq, M, C)


def _fc_kernel(x_ref, w_ref, b_ref, o_ref):
    o_ref[...] = jnp.dot(x_ref[...], w_ref[...],
                         preferred_element_type=jnp.float32) + b_ref[...]


def _fc(x2d, w, b):
    R = x2d.shape[0]
    return pl.pallas_call(
        _fc_kernel,
        out_shape=jax.ShapeDtypeStruct((R, w.shape[1]), jnp.float32),
        in_specs=[pl.BlockSpec((R, x2d.shape[1]), lambda: (0, 0)),
                  pl.BlockSpec(w.shape, lambda: (0, 0)),
                  pl.BlockSpec((1, w.shape[1]), lambda: (0, 0))],
        out_specs=pl.BlockSpec((R, w.shape[1]), lambda: (0, 0)),
    )(x2d, w, b.reshape(1, -1))


def kernel(x, input_pts, params):
    pts = _pts_pyramid(input_pts)
    idx = {name: _knn(pts[o], pts[r], K) for (name, r, o, K) in KSPEC}

    def cv(name, xin, r, o, K):
        return _bn_relu(
            _ptconv(params[name], xin, pts[r], pts[o], idx[name], K),
            params["bn_" + name])

    x0 = cv("cv0", x, 0, 0, 16)
    x1 = cv("cv1", x0, 0, 1, 16)
    x2 = cv("cv2", x1, 1, 2, 16)
    x3 = cv("cv3", x2, 2, 3, 16)
    x4 = cv("cv4", x3, 3, 4, 8)
    x5 = cv("cv5", x4, 4, 5, 8)
    x6 = cv("cv6", x5, 5, 6, 4)
    x5d = jnp.concatenate([cv("cv5d", x6, 6, 5, 4), x5], axis=2)
    x4d = jnp.concatenate([cv("cv4d", x5d, 5, 4, 4), x4], axis=2)
    x3d = jnp.concatenate([cv("cv3d", x4d, 4, 3, 4), x3], axis=2)
    x2d = jnp.concatenate([cv("cv2d", x3d, 3, 2, 8), x2], axis=2)
    x1d = jnp.concatenate([cv("cv1d", x2d, 2, 1, 8), x1], axis=2)
    x0d = jnp.concatenate([cv("cv0d", x1d, 1, 0, 8), x0], axis=2)

    xout = _fc(x0d.reshape(-1, x0d.shape[2]), params["fcout_w"],
               params["fcout_b"])
    xout = xout.reshape(x.shape[0], -1, xout.shape[1])
    return (xout, x0d)

# --- scband reference (transcript-rebuilt; emitter-appended) ---
"""Pipeline reference for scband-seg-big-35141422416036 (READ-ONLY COPY).

The authoritative reference and input builder live on the scoring server;
editing this copy changes nothing except your own understanding.
"""

import jax, jax.numpy as jnp
import numpy as np

PL = 64
NC = 16
DIM = 3
IN_CH = 3
OUT_CH = 13
B = 2
N = 8192
NPTS = [2048, 1024, 256, 64, 16, 8]
LAYERS = [("cv0", IN_CH, PL), ("cv1", PL, PL), ("cv2", PL, PL), ("cv3", PL, PL), ("cv4", PL, 2 * PL), ("cv5", 2 * PL, 2 * PL), ("cv6", 2 * PL, 2 * PL), ("cv5d", 2 * PL, 2 * PL), ("cv4d", 4 * PL, 2 * PL), ("cv3d", 4 * PL, PL), ("cv2d", 2 * PL, PL), ("cv1d", 2 * PL, PL), ("cv0d", 2 * PL, PL)]
KSPEC = [("cv0", 0, 0, 16), ("cv1", 0, 1, 16), ("cv2", 1, 2, 16), ("cv3", 2, 3, 16), ("cv4", 3, 4, 8), ("cv5", 4, 5, 8), ("cv6", 5, 6, 4), ("cv5d", 6, 5, 4), ("cv4d", 5, 4, 4), ("cv3d", 4, 3, 4), ("cv2d", 3, 2, 8), ("cv1d", 2, 1, 8), ("cv0d", 1, 0, 8)]

def _lin(k, fi, fo):
    kw, kb = jax.random.split(k)
    bd = 1.0 / np.sqrt(fi)
    return (jax.random.uniform(kw, (fi, fo), minval=-bd, maxval=bd), jax.random.uniform(kb, (fo,), minval=-bd, maxval=bd))

def _init_ptconv(key, cin, cout):
    k1, k2, k3, k4, k5 = jax.random.split(key, 5)
    bound = np.sqrt(3.0) * np.sqrt(2.0 / (cin + cout))
    w = jax.random.uniform(k1, (cin, NC, cout), minval=-bound, maxval=bound)
    c = jax.random.uniform(k2, (DIM, NC), minval=-1.0, maxval=1.0)
    c = c / jnp.maximum(jnp.sqrt((c ** 2).sum(0, keepdims=True)), 1.0)
    l1w, l1b = _lin(k3, DIM * NC, 2 * NC)
    l2w, l2b = _lin(k4, 2 * NC, NC)
    l3w, l3b = _lin(k5, NC, NC)
    return {"w": w, "c": c, "l1w": l1w, "l1b": l1b, "l2w": l2w, "l2b": l2b, "l3w": l3w, "l3b": l3b}

def make_params():
    key = jax.random.key(42)
    params = {}
    for i, (name, cin, cout) in enumerate(LAYERS):
        params[name] = _init_ptconv(jax.random.fold_in(key, i), cin, cout)
        params["bn_" + name] = {"g": jnp.ones((cout,), jnp.float32), "b": jnp.zeros((cout,), jnp.float32)}
    kw, kb = jax.random.split(jax.random.fold_in(key, 100))
    bd = 1.0 / np.sqrt(2 * PL)
    params["fcout_w"] = jax.random.uniform(kw, (2 * PL, OUT_CH), minval=-bd, maxval=bd)
    params["fcout_b"] = jax.random.uniform(kb, (OUT_CH,), minval=-bd, maxval=bd)
    return params

def _pts_pyramid(input_pts):
    pts = [input_pts]
    for npts in NPTS:
        n = pts[-1].shape[1]
        sel = jnp.arange(npts) * (n // npts)
        pts.append(pts[-1][:, sel])
    return pts

def _knn(q, r, K):
    qn = (q ** 2).sum(-1)[:, :, None]
    rn = (r ** 2).sum(-1)[:, None, :]
    d = qn + rn - 2.0 * jnp.einsum("bmd,bnd->bmn", q, r)
    _, idx = jax.lax.top_k(-d, K)
    return idx

def build_indices(input_pts):
    pts = _pts_pyramid(input_pts)
    return {name: _knn(pts[o], pts[r], K) for (name, r, o, K) in KSPEC}

def _gather(a, idx):
    return jax.vmap(lambda ab, ib: ab[ib])(a, idx)

def _ptconv(p, x, pin, pout, idx, K):
    feats = _gather(x, idx)
    pts = _gather(pin, idx) - pout[:, :, None, :]
    maxi = jnp.sqrt(jax.lax.stop_gradient((pts ** 2).sum(-1)).max(-1))
    maxi = jnp.where(maxi == 0.0, 1.0, maxi)
    pts = pts / maxi[:, :, None, None]
    d = pts[..., None] - p["c"][None, None, None, :, :]
    d = d.reshape(d.shape[0], d.shape[1], d.shape[2], DIM * NC)
    d = jax.nn.relu(d @ p["l1w"] + p["l1b"])
    d = jax.nn.relu(d @ p["l2w"] + p["l2b"])
    d = jax.nn.relu(d @ p["l3w"] + p["l3b"])
    r = jnp.einsum("bmkc,bmkn->bmcn", feats, d)
    r = r.reshape(r.shape[0], r.shape[1], -1)
    return (r @ p["w"].reshape(-1, p["w"].shape[2])) / K

def _bn(x, bp, eps=1e-5):
    m = x.mean(axis=(0, 1))
    v = x.var(axis=(0, 1))
    return bp["g"] * (x - m) / jnp.sqrt(v + eps) + bp["b"]

def _backbone(params, x, input_pts, idx):
    pts = _pts_pyramid(input_pts)
    def cv(name, xin, r, o, K):
        return jax.nn.relu(_bn(_ptconv(params[name], xin, pts[r], pts[o], idx[name], K), params["bn_" + name]))
    x0 = cv("cv0", x, 0, 0, 16)
    x1 = cv("cv1", x0, 0, 1, 16)
    x2 = cv("cv2", x1, 1, 2, 16)
    x3 = cv("cv3", x2, 2, 3, 16)
    x4 = cv("cv4", x3, 3, 4, 8)
    x5 = cv("cv5", x4, 4, 5, 8)
    x6 = cv("cv6", x5, 5, 6, 4)
    x5d = jnp.concatenate([cv("cv5d", x6, 6, 5, 4), x5], axis=2)
    x4d = jnp.concatenate([cv("cv4d", x5d, 5, 4, 4), x4], axis=2)
    x3d = jnp.concatenate([cv("cv3d", x4d, 4, 3, 4), x3], axis=2)
    x2d = jnp.concatenate([cv("cv2d", x3d, 3, 2, 8), x2], axis=2)
    x1d = jnp.concatenate([cv("cv1d", x2d, 2, 1, 8), x1], axis=2)
    x0d = jnp.concatenate([cv("cv0d", x1d, 1, 0, 8), x0], axis=2)
    return x0d

def setup_inputs(seed: int = 0):
    key = jax.random.key(seed)
    k1, k2 = jax.random.split(key)
    x = jax.random.normal(k1, (B, N, IN_CH), dtype=jnp.float32)
    input_pts = jax.random.uniform(k2, (B, N, DIM), dtype=jnp.float32) * 2.0 - 1.0
    return {"x": x, "input_pts": input_pts, "params": make_params()}

def reference(x, input_pts, params):
    idx = build_indices(input_pts)
    x0d = _backbone(params, x, input_pts, idx)
    xout = x0d.reshape(-1, x0d.shape[2]) @ params["fcout_w"] + params["fcout_b"]
    xout = xout.reshape(x.shape[0], -1, xout.shape[1])
    return (xout, x0d)

if __name__ == "__main__":
    import jax
    _d = setup_inputs()
    print(jax.jit(kernel)(*tuple(_d.values())))

</pallas_src>

<mosaic_0001>
module attributes {stable_mosaic.version = 14 : i64} {
  func.func @_bn_relu_body(%arg0: memref<16384x64xf32, #tpu.memory_space<vmem>>, %arg1: memref<1x64xf32, #tpu.memory_space<vmem>>, %arg2: memref<1x64xf32, #tpu.memory_space<vmem>>, %arg3: memref<16384x64xf32, #tpu.memory_space<vmem>>) attributes {dimension_semantics = [], scalar_prefetch = 0 : i64, scratch_operands = 0 : i64, tpu.core_type = #tpu.core_type<tc>} {
    %get3A = arith.constant 0 : index
    %get3A_0 = arith.constant 0 : index
    %get3A_1 = vector.load %arg0[%get3A, %get3A_0] : memref<16384x64xf32, #tpu.memory_space<vmem>>, vector<16384x64xf32>
    %reduce_sum3A = arith.constant dense<0.000000e+00> : vector<64xf32>
    %reduce_sum3A_2 = vector.multi_reduction <add>, %get3A_1, %reduce_sum3A [0] : vector<16384x64xf32> to vector<64xf32>
    %broadcast_in_dim3A = vector.shape_cast %reduce_sum3A_2 : vector<64xf32> to vector<1x64xf32>
    %div3A = arith.constant 1.638400e+04 : f32
    %div3A_3 = vector.broadcast %div3A : f32 to vector<1x64xf32>
    %div3A_4 = arith.divf %broadcast_in_dim3A, %div3A_3 : vector<1x64xf32>
    %sub3A = vector.broadcast %div3A_4 : vector<1x64xf32> to vector<16384x64xf32>
    %sub3A_5 = arith.subf %get3A_1, %sub3A : vector<16384x64xf32>
    %mul3A = arith.mulf %sub3A_5, %sub3A_5 : vector<16384x64xf32>
    %reduce_sum3A_6 = arith.constant dense<0.000000e+00> : vector<64xf32>
    %reduce_sum3A_7 = vector.multi_reduction <add>, %mul3A, %reduce_sum3A_6 [0] : vector<16384x64xf32> to vector<64xf32>
    %broadcast_in_dim3A_8 = vector.shape_cast %reduce_sum3A_7 : vector<64xf32> to vector<1x64xf32>
    %div3A_9 = arith.constant 1.638400e+04 : f32
    %div3A_10 = vector.broadcast %div3A_9 : f32 to vector<1x64xf32>
    %div3A_11 = arith.divf %broadcast_in_dim3A_8, %div3A_10 : vector<1x64xf32>
    %get3A_12 = arith.constant 0 : index
    %get3A_13 = arith.constant 0 : index
    %get3A_14 = vector.load %arg1[%get3A_12, %get3A_13] : memref<1x64xf32, #tpu.memory_space<vmem>>, vector<1x64xf32>
    %mul3A_15 = vector.broadcast %get3A_14 : vector<1x64xf32> to vector<16384x64xf32>
    %mul3A_16 = arith.mulf %mul3A_15, %sub3A_5 : vector<16384x64xf32>
    %add3A = arith.constant 9.99999974E-6 : f32
    %add3A_17 = vector.broadcast %add3A : f32 to vector<1x64xf32>
    %add3A_18 = arith.addf %div3A_11, %add3A_17 : vector<1x64xf32>
    %sqrt3A = math.sqrt %add3A_18 : vector<1x64xf32>
    %div3A_19 = vector.broadcast %sqrt3A : vector<1x64xf32> to vector<16384x64xf32>
    %div3A_20 = arith.divf %mul3A_16, %div3A_19 : vector<16384x64xf32>
    %get3A_21 = arith.constant 0 : index
    %get3A_22 = arith.constant 0 : index
    %get3A_23 = vector.load %arg2[%get3A_21, %get3A_22] : memref<1x64xf32, #tpu.memory_space<vmem>>, vector<1x64xf32>
    %add3A_24 = vector.broadcast %get3A_23 : vector<1x64xf32> to vector<16384x64xf32>
    %add3A_25 = arith.addf %div3A_20, %add3A_24 : vector<16384x64xf32>
    %max3A = arith.constant 0.000000e+00 : f32
    %max3A_26 = vector.broadcast %max3A : f32 to vector<16384x64xf32>
    %max3A_27 = arith.maximumf %add3A_25, %max3A_26 : vector<16384x64xf32>
    %swap3A = arith.constant 0 : index
    %swap3A_28 = arith.constant 0 : index
    %swap3A_29 = vector.load %arg3[%swap3A, %swap3A_28] : memref<16384x64xf32, #tpu.memory_space<vmem>>, vector<16384x64xf32>
    tpu.vector_store %arg3[%swap3A, %swap3A_28], %max3A_27 {strides = array<i32>} : memref<16384x64xf32, #tpu.memory_space<vmem>>, vector<16384x64xf32>,
    return
  }
}

module attributes {stable_mosaic.version = 14 : i64} {
  func.func @_bn_relu_body(%arg0: memref<4096x64xf32, #tpu.memory_space<vmem>>, %arg1: memref<1x64xf32, #tpu.memory_space<vmem>>, %arg2: memref<1x64xf32, #tpu.memory_space<vmem>>, %arg3: memref<4096x64xf32, #tpu.memory_space<vmem>>) attributes {dimension_semantics = [], scalar_prefetch = 0 : i64, scratch_operands = 0 : i64, tpu.core_type = #tpu.core_type<tc>} {
    %get3A = arith.constant 0 : index
    %get3A_0 = arith.constant 0 : index
    %get3A_1 = vector.load %arg0[%get3A, %get3A_0] : memref<4096x64xf32, #tpu.memory_space<vmem>>, vector<4096x64xf32>
    %reduce_sum3A = arith.constant dense<0.000000e+00> : vector<64xf32>
    %reduce_sum3A_2 = vector.multi_reduction <add>, %get3A_1, %reduce_sum3A [0] : vector<4096x64xf32> to vector<64xf32>
    %broadcast_in_dim3A = vector.shape_cast %reduce_sum3A_2 : vector<64xf32> to vector<1x64xf32>
    %div3A = arith.constant 4.096000e+03 : f32
    %div3A_3 = vector.broadcast %div3A : f32 to vector<1x64xf32>
    %div3A_4 = arith.divf %broadcast_in_dim3A, %div3A_3 : vector<1x64xf32>
    %sub3A = vector.broadcast %div3A_4 : vector<1x64xf32> to vector<4096x64xf32>
    %sub3A_5 = arith.subf %get3A_1, %sub3A : vector<4096x64xf32>
    %mul3A = arith.mulf %sub3A_5, %sub3A_5 : vector<4096x64xf32>
    %reduce_sum3A_6 = arith.constant dense<0.000000e+00> : vector<64xf32>
    %reduce_sum3A_7 = vector.multi_reduction <add>, %mul3A, %reduce_sum3A_6 [0] : vector<4096x64xf32> to vector<64xf32>
    %broadcast_in_dim3A_8 = vector.shape_cast %reduce_sum3A_7 : vector<64xf32> to vector<1x64xf32>
    %div3A_9 = arith.constant 4.096000e+03 : f32
    %div3A_10 = vector.broadcast %div3A_9 : f32 to vector<1x64xf32>
    %div3A_11 = arith.divf %broadcast_in_dim3A_8, %div3A_10 : vector<1x64xf32>
    %get3A_12 = arith.constant 0 : index
    %get3A_13 = arith.constant 0 : index
    %get3A_14 = vector.load %arg1[%get3A_12, %get3A_13] : memref<1x64xf32, #tpu.memory_space<vmem>>, vector<1x64xf32>
    %mul3A_15 = vector.broadcast %get3A_14 : vector<1x64xf32> to vector<4096x64xf32>
    %mul3A_16 = arith.mulf %mul3A_15, %sub3A_5 : vector<4096x64xf32>
    %add3A = arith.constant 9.99999974E-6 : f32
    %add3A_17 = vector.broadcast %add3A : f32 to vector<1x64xf32>
    %add3A_18 = arith.addf %div3A_11, %add3A_17 : vector<1x64xf32>
    %sqrt3A = math.sqrt %add3A_18 : vector<1x64xf32>
    %div3A_19 = vector.broadcast %sqrt3A : vector<1x64xf32> to vector<4096x64xf32>
    %div3A_20 = arith.divf %mul3A_16, %div3A_19 : vector<4096x64xf32>
    %get3A_21 = arith.constant 0 : index
    %get3A_22 = arith.constant 0 : index
    %get3A_23 = vector.load %arg2[%get3A_21, %get3A_22] : memref<1x64xf32, #tpu.memory_space<vmem>>, vector<1x64xf32>
    %add3A_24 = vector.broadcast %get3A_23 : vector<1x64xf32> to vector<4096x64xf32>
    %add3A_25 = arith.addf %div3A_20, %add3A_24 : vector<4096x64xf32>
    %max3A = arith.constant 0.000000e+00 : f32
    %max3A_26 = vector.broadcast %max3A : f32 to vector<4096x64xf32>
    %max3A_27 = arith.maximumf %add3A_25, %max3A_26 : vector<4096x64xf32>
    %swap3A = arith.constant 0 : index
    %swap3A_28 = arith.constant 0 : index
    %swap3A_29 = vector.load %arg3[%swap3A, %swap3A_28] : memref<4096x64xf32, #tpu.memory_space<vmem>>, vector<4096x64xf32>
    tpu.vector_store %arg3[%swap3A, %swap3A_28], %max3A_27 {strides = array<i32>} : memref<4096x64xf32, #tpu.memory_space<vmem>>, vector<4096x64xf32>,
    return
  }
}

module attributes {stable_mosaic.version = 14 : i64} {
  func.func @_bn_relu_body(%arg0: memref<2048x64xf32, #tpu.memory_space<vmem>>, %arg1: memref<1x64xf32, #tpu.memory_space<vmem>>, %arg2: memref<1x64xf32, #tpu.memory_space<vmem>>, %arg3: memref<2048x64xf32, #tpu.memory_space<vmem>>) attributes {dimension_semantics = [], scalar_prefetch = 0 : i64, scratch_operands = 0 : i64, tpu.core_type = #tpu.core_type<tc>} {
    %get3A = arith.constant 0 : index
    %get3A_0 = arith.constant 0 : index
    %get3A_1 = vector.load %arg0[%get3A, %get3A_0] : memref<2048x64xf32, #tpu.memory_space<vmem>>, vector<2048x64xf32>
    %reduce_sum3A = arith.constant dense<0.000000e+00> : vector<64xf32>
    %reduce_sum3A_2 = vector.multi_reduction <add>, %get3A_1, %reduce_sum3A [0] : vector<2048x64xf32> to vector<64xf32>
    %broadcast_in_dim3A = vector.shape_cast %reduce_sum3A_2 : vector<64xf32> to vector<1x64xf32>
    %div3A = arith.constant 2.048000e+03 : f32
    %div3A_3 = vector.broadcast %div3A : f32 to vector<1x64xf32>
    %div3A_4 = arith.divf %broadcast_in_dim3A, %div3A_3 : vector<1x64xf32>
    %sub3A = vector.broadcast %div3A_4 : vector<1x64xf32> to vector<2048x64xf32>
    %sub3A_5 = arith.subf %get3A_1, %sub3A : vector<2048x64xf32>
    %mul3A = arith.mulf %sub3A_5, %sub3A_5 : vector<2048x64xf32>
    %reduce_sum3A_6 = arith.constant dense<0.000000e+00> : vector<64xf32>
    %reduce_sum3A_7 = vector.multi_reduction <add>, %mul3A, %reduce_sum3A_6 [0] : vector<2048x64xf32> to vector<64xf32>
    %broadcast_in_dim3A_8 = vector.shape_cast %reduce_sum3A_7 : vector<64xf32> to vector<1x64xf32>
    %div3A_9 = arith.constant 2.048000e+03 : f32
    %div3A_10 = vector.broadcast %div3A_9 : f32 to vector<1x64xf32>
    %div3A_11 = arith.divf %broadcast_in_dim3A_8, %div3A_10 : vector<1x64xf32>
    %get3A_12 = arith.constant 0 : index
    %get3A_13 = arith.constant 0 : index
    %get3A_14 = vector.load %arg1[%get3A_12, %get3A_13] : memref<1x64xf32, #tpu.memory_space<vmem>>, vector<1x64xf32>
    %mul3A_15 = vector.broadcast %get3A_14 : vector<1x64xf32> to vector<2048x64xf32>
    %mul3A_16 = arith.mulf %mul3A_15, %sub3A_5 : vector<2048x64xf32>
    %add3A = arith.constant 9.99999974E-6 : f32
    %add3A_17 = vector.broadcast %add3A : f32 to vector<1x64xf32>
    %add3A_18 = arith.addf %div3A_11, %add3A_17 : vector<1x64xf32>
    %sqrt3A = math.sqrt %add3A_18 : vector<1x64xf32>
    %div3A_19 = vector.broadcast %sqrt3A : vector<1x64xf32> to vector<2048x64xf32>
    %div3A_20 = arith.divf %mul3A_16, %div3A_19 : vector<2048x64xf32>
    %get3A_21 = arith.constant 0 : index
    %get3A_22 = arith.constant 0 : index
    %get3A_23 = vector.load %arg2[%get3A_21, %get3A_22] : memref<1x64xf32, #tpu.memory_space<vmem>>, vector<1x64xf32>
    %add3A_24 = vector.broadcast %get3A_23 : vector<1x64xf32> to vector<2048x64xf32>
    %add3A_25 = arith.addf %div3A_20, %add3A_24 : vector<2048x64xf32>
    %max3A = arith.constant 0.000000e+00 : f32
    %max3A_26 = vector.broadcast %max3A : f32 to vector<2048x64xf32>
    %max3A_27 = arith.maximumf %add3A_25, %max3A_26 : vector<2048x64xf32>
    %swap3A = arith.constant 0 : index
    %swap3A_28 = arith.constant 0 : index
    %swap3A_29 = vector.load %arg3[%swap3A, %swap3A_28] : memref<2048x64xf32, #tpu.memory_space<vmem>>, vector<2048x64xf32>
    tpu.vector_store %arg3[%swap3A, %swap3A_28], %max3A_27 {strides = array<i32>} : memref<2048x64xf32, #tpu.memory_space<vmem>>, vector<2048x64xf32>,
    return
  }
}

module attributes {stable_mosaic.version = 14 : i64} {
  func.func @_bn_relu_body(%arg0: memref<512x64xf32, #tpu.memory_space<vmem>>, %arg1: memref<1x64xf32, #tpu.memory_space<vmem>>, %arg2: memref<1x64xf32, #tpu.memory_space<vmem>>, %arg3: memref<512x64xf32, #tpu.memory_space<vmem>>) attributes {dimension_semantics = [], scalar_prefetch = 0 : i64, scratch_operands = 0 : i64, tpu.core_type = #tpu.core_type<tc>} {
    %get3A = arith.constant 0 : index
    %get3A_0 = arith.constant 0 : index
    %get3A_1 = vector.load %arg0[%get3A, %get3A_0] : memref<512x64xf32, #tpu.memory_space<vmem>>, vector<512x64xf32>
    %reduce_sum3A = arith.constant dense<0.000000e+00> : vector<64xf32>
    %reduce_sum3A_2 = vector.multi_reduction <add>, %get3A_1, %reduce_sum3A [0] : vector<512x64xf32> to vector<64xf32>
    %broadcast_in_dim3A = vector.shape_cast %reduce_sum3A_2 : vector<64xf32> to vector<1x64xf32>
    %div3A = arith.constant 5.120000e+02 : f32
    %div3A_3 = vector.broadcast %div3A : f32 to vector<1x64xf32>
    %div3A_4 = arith.divf %broadcast_in_dim3A, %div3A_3 : vector<1x64xf32>
    %sub3A = vector.broadcast %div3A_4 : vector<1x64xf32> to vector<512x64xf32>
    %sub3A_5 = arith.subf %get3A_1, %sub3A : vector<512x64xf32>
    %mul3A = arith.mulf %sub3A_5, %sub3A_5 : vector<512x64xf32>
    %reduce_sum3A_6 = arith.constant dense<0.000000e+00> : vector<64xf32>
    %reduce_sum3A_7 = vector.multi_reduction <add>, %mul3A, %reduce_sum3A_6 [0] : vector<512x64xf32> to vector<64xf32>
    %broadcast_in_dim3A_8 = vector.shape_cast %reduce_sum3A_7 : vector<64xf32> to vector<1x64xf32>
    %div3A_9 = arith.constant 5.120000e+02 : f32
    %div3A_10 = vector.broadcast %div3A_9 : f32 to vector<1x64xf32>
    %div3A_11 = arith.divf %broadcast_in_dim3A_8, %div3A_10 : vector<1x64xf32>
    %get3A_12 = arith.constant 0 : index
    %get3A_13 = arith.constant 0 : index
    %get3A_14 = vector.load %arg1[%get3A_12, %get3A_13] : memref<1x64xf32, #tpu.memory_space<vmem>>, vector<1x64xf32>
    %mul3A_15 = vector.broadcast %get3A_14 : vector<1x64xf32> to vector<512x64xf32>
    %mul3A_16 = arith.mulf %mul3A_15, %sub3A_5 : vector<512x64xf32>
    %add3A = arith.constant 9.99999974E-6 : f32
    %add3A_17 = vector.broadcast %add3A : f32 to vector<1x64xf32>
    %add3A_18 = arith.addf %div3A_11, %add3A_17 : vector<1x64xf32>
    %sqrt3A = math.sqrt %add3A_18 : vector<1x64xf32>
    %div3A_19 = vector.broadcast %sqrt3A : vector<1x64xf32> to vector<512x64xf32>
    %div3A_20 = arith.divf %mul3A_16, %div3A_19 : vector<512x64xf32>
    %get3A_21 = arith.constant 0 : index
    %get3A_22 = arith.constant 0 : index
    %get3A_23 = vector.load %arg2[%get3A_21, %get3A_22] : memref<1x64xf32, #tpu.memory_space<vmem>>, vector<1x64xf32>
    %add3A_24 = vector.broadcast %get3A_23 : vector<1x64xf32> to vector<512x64xf32>
    %add3A_25 = arith.addf %div3A_20, %add3A_24 : vector<512x64xf32>
    %max3A = arith.constant 0.000000e+00 : f32
    %max3A_26 = vector.broadcast %max3A : f32 to vector<512x64xf32>
    %max3A_27 = arith.maximumf %add3A_25, %max3A_26 : vector<512x64xf32>
    %swap3A = arith.constant 0 : index
    %swap3A_28 = arith.constant 0 : index
    %swap3A_29 = vector.load %arg3[%swap3A, %swap3A_28] : memref<512x64xf32, #tpu.memory_space<vmem>>, vector<512x64xf32>
    tpu.vector_store %arg3[%swap3A, %swap3A_28], %max3A_27 {strides = array<i32>} : memref<512x64xf32, #tpu.memory_space<vmem>>, vector<512x64xf32>,
    return
  }
}

module attributes {stable_mosaic.version = 14 : i64} {
  func.func @_bn_relu_body(%arg0: memref<128x128xf32, #tpu.memory_space<vmem>>, %arg1: memref<1x128xf32, #tpu.memory_space<vmem>>, %arg2: memref<1x128xf32, #tpu.memory_space<vmem>>, %arg3: memref<128x128xf32, #tpu.memory_space<vmem>>) attributes {dimension_semantics = [], scalar_prefetch = 0 : i64, scratch_operands = 0 : i64, tpu.core_type = #tpu.core_type<tc>} {
    %get3A = arith.constant 0 : index
    %get3A_0 = arith.constant 0 : index
    %get3A_1 = vector.load %arg0[%get3A, %get3A_0] : memref<128x128xf32, #tpu.memory_space<vmem>>, vector<128x128xf32>
    %reduce_sum3A = arith.constant dense<0.000000e+00> : vector<128xf32>
    %reduce_sum3A_2 = vector.multi_reduction <add>, %get3A_1, %reduce_sum3A [0] : vector<128x128xf32> to vector<128xf32>
    %broadcast_in_dim3A = vector.shape_cast %reduce_sum3A_2 : vector<128xf32> to vector<1x128xf32>
    %div3A = arith.constant 1.280000e+02 : f32
    %div3A_3 = vector.broadcast %div3A : f32 to vector<1x128xf32>
    %div3A_4 = arith.divf %broadcast_in_dim3A, %div3A_3 : vector<1x128xf32>
    %sub3A = vector.broadcast %div3A_4 : vector<1x128xf32> to vector<128x128xf32>
    %sub3A_5 = arith.subf %get3A_1, %sub3A : vector<128x128xf32>
    %mul3A = arith.mulf %sub3A_5, %sub3A_5 : vector<128x128xf32>
    %reduce_sum3A_6 = arith.constant dense<0.000000e+00> : vector<128xf32>
    %reduce_sum3A_7 = vector.multi_reduction <add>, %mul3A, %reduce_sum3A_6 [0] : vector<128x128xf32> to vector<128xf32>
    %broadcast_in_dim3A_8 = vector.shape_cast %reduce_sum3A_7 : vector<128xf32> to vector<1x128xf32>
    %div3A_9 = arith.constant 1.280000e+02 : f32
    %div3A_10 = vector.broadcast %div3A_9 : f32 to vector<1x128xf32>
    %div3A_11 = arith.divf %broadcast_in_dim3A_8, %div3A_10 : vector<1x128xf32>
    %get3A_12 = arith.constant 0 : index
    %get3A_13 = arith.constant 0 : index
    %get3A_14 = vector.load %arg1[%get3A_12, %get3A_13] : memref<1x128xf32, #tpu.memory_space<vmem>>, vector<1x128xf32>
    %mul3A_15 = vector.broadcast %get3A_14 : vector<1x128xf32> to vector<128x128xf32>
    %mul3A_16 = arith.mulf %mul3A_15, %sub3A_5 : vector<128x128xf32>
    %add3A = arith.constant 9.99999974E-6 : f32
    %add3A_17 = vector.broadcast %add3A : f32 to vector<1x128xf32>
    %add3A_18 = arith.addf %div3A_11, %add3A_17 : vector<1x128xf32>
    %sqrt3A = math.sqrt %add3A_18 : vector<1x128xf32>
    %div3A_19 = vector.broadcast %sqrt3A : vector<1x128xf32> to vector<128x128xf32>
    %div3A_20 = arith.divf %mul3A_16, %div3A_19 : vector<128x128xf32>
    %get3A_21 = arith.constant 0 : index
    %get3A_22 = arith.constant 0 : index
    %get3A_23 = vector.load %arg2[%get3A_21, %get3A_22] : memref<1x128xf32, #tpu.memory_space<vmem>>, vector<1x128xf32>
    %add3A_24 = vector.broadcast %get3A_23 : vector<1x128xf32> to vector<128x128xf32>
    %add3A_25 = arith.addf %div3A_20, %add3A_24 : vector<128x128xf32>
    %max3A = arith.constant 0.000000e+00 : f32
    %max3A_26 = vector.broadcast %max3A : f32 to vector<128x128xf32>
    %max3A_27 = arith.maximumf %add3A_25, %max3A_26 : vector<128x128xf32>
    %swap3A = arith.constant 0 : index
    %swap3A_28 = arith.constant 0 : index
    %swap3A_29 = vector.load %arg3[%swap3A, %swap3A_28] : memref<128x128xf32, #tpu.memory_space<vmem>>, vector<128x128xf32>
    tpu.vector_store %arg3[%swap3A, %swap3A_28], %max3A_27 {strides = array<i32>} : memref<128x128xf32, #tpu.memory_space<vmem>>, vector<128x128xf32>,
    return
  }
}

module attributes {stable_mosaic.version = 14 : i64} {
  func.func @_bn_relu_body(%arg0: memref<32x128xf32, #tpu.memory_space<vmem>>, %arg1: memref<1x128xf32, #tpu.memory_space<vmem>>, %arg2: memref<1x128xf32, #tpu.memory_space<vmem>>, %arg3: memref<32x128xf32, #tpu.memory_space<vmem>>) attributes {dimension_semantics = [], scalar_prefetch = 0 : i64, scratch_operands = 0 : i64, tpu.core_type = #tpu.core_type<tc>} {
    %get3A = arith.constant 0 : index
    %get3A_0 = arith.constant 0 : index
    %get3A_1 = vector.load %arg0[%get3A, %get3A_0] : memref<32x128xf32, #tpu.memory_space<vmem>>, vector<32x128xf32>
    %reduce_sum3A = arith.constant dense<0.000000e+00> : vector<128xf32>
    %reduce_sum3A_2 = vector.multi_reduction <add>, %get3A_1, %reduce_sum3A [0] : vector<32x128xf32> to vector<128xf32>
    %broadcast_in_dim3A = vector.shape_cast %reduce_sum3A_2 : vector<128xf32> to vector<1x128xf32>
    %div3A = arith.constant 3.200000e+01 : f32
    %div3A_3 = vector.broadcast %div3A : f32 to vector<1x128xf32>
    %div3A_4 = arith.divf %broadcast_in_dim3A, %div3A_3 : vector<1x128xf32>
    %sub3A = vector.broadcast %div3A_4 : vector<1x128xf32> to vector<32x128xf32>
    %sub3A_5 = arith.subf %get3A_1, %sub3A : vector<32x128xf32>
    %mul3A = arith.mulf %sub3A_5, %sub3A_5 : vector<32x128xf32>
    %reduce_sum3A_6 = arith.constant dense<0.000000e+00> : vector<128xf32>
    %reduce_sum3A_7 = vector.multi_reduction <add>, %mul3A, %reduce_sum3A_6 [0] : vector<32x128xf32> to vector<128xf32>
    %broadcast_in_dim3A_8 = vector.shape_cast %reduce_sum3A_7 : vector<128xf32> to vector<1x128xf32>
    %div3A_9 = arith.constant 3.200000e+01 : f32
    %div3A_10 = vector.broadcast %div3A_9 : f32 to vector<1x128xf32>
    %div3A_11 = arith.divf %broadcast_in_dim3A_8, %div3A_10 : vector<1x128xf32>
    %get3A_12 = arith.constant 0 : index
    %get3A_13 = arith.constant 0 : index
    %get3A_14 = vector.load %arg1[%get3A_12, %get3A_13] : memref<1x128xf32, #tpu.memory_space<vmem>>, vector<1x128xf32>
    %mul3A_15 = vector.broadcast %get3A_14 : vector<1x128xf32> to vector<32x128xf32>
    %mul3A_16 = arith.mulf %mul3A_15, %sub3A_5 : vector<32x128xf32>
    %add3A = arith.constant 9.99999974E-6 : f32
    %add3A_17 = vector.broadcast %add3A : f32 to vector<1x128xf32>
    %add3A_18 = arith.addf %div3A_11, %add3A_17 : vector<1x128xf32>
    %sqrt3A = math.sqrt %add3A_18 : vector<1x128xf32>
    %div3A_19 = vector.broadcast %sqrt3A : vector<1x128xf32> to vector<32x128xf32>
    %div3A_20 = arith.divf %mul3A_16, %div3A_19 : vector<32x128xf32>
    %get3A_21 = arith.constant 0 : index
    %get3A_22 = arith.constant 0 : index
    %get3A_23 = vector.load %arg2[%get3A_21, %get3A_22] : memref<1x128xf32, #tpu.memory_space<vmem>>, vector<1x128xf32>
    %add3A_24 = vector.broadcast %get3A_23 : vector<1x128xf32> to vector<32x128xf32>
    %add3A_25 = arith.addf %div3A_20, %add3A_24 : vector<32x128xf32>
    %max3A = arith.constant 0.000000e+00 : f32
    %max3A_26 = vector.broadcast %max3A : f32 to vector<32x128xf32>
    %max3A_27 = arith.maximumf %add3A_25, %max3A_26 : vector<32x128xf32>
    %swap3A = arith.constant 0 : index
    %swap3A_28 = arith.constant 0 : index
    %swap3A_29 = vector.load %arg3[%swap3A, %swap3A_28] : memref<32x128xf32, #tpu.memory_space<vmem>>, vector<32x128xf32>
    tpu.vector_store %arg3[%swap3A, %swap3A_28], %max3A_27 {strides = array<i32>} : memref<32x128xf32, #tpu.memory_space<vmem>>, vector<32x128xf32>,
    return
  }
}

module attributes {stable_mosaic.version = 14 : i64} {
  func.func @_bn_relu_body(%arg0: memref<16x128xf32, #tpu.memory_space<vmem>>, %arg1: memref<1x128xf32, #tpu.memory_space<vmem>>, %arg2: memref<1x128xf32, #tpu.memory_space<vmem>>, %arg3: memref<16x128xf32, #tpu.memory_space<vmem>>) attributes {dimension_semantics = [], scalar_prefetch = 0 : i64, scratch_operands = 0 : i64, tpu.core_type = #tpu.core_type<tc>} {
    %get3A = arith.constant 0 : index
    %get3A_0 = arith.constant 0 : index
    %get3A_1 = vector.load %arg0[%get3A, %get3A_0] : memref<16x128xf32, #tpu.memory_space<vmem>>, vector<16x128xf32>
    %reduce_sum3A = arith.constant dense<0.000000e+00> : vector<128xf32>
    %reduce_sum3A_2 = vector.multi_reduction <add>, %get3A_1, %reduce_sum3A [0] : vector<16x128xf32> to vector<128xf32>
    %broadcast_in_dim3A = vector.shape_cast %reduce_sum3A_2 : vector<128xf32> to vector<1x128xf32>
    %div3A = arith.constant 1.600000e+01 : f32
    %div3A_3 = vector.broadcast %div3A : f32 to vector<1x128xf32>
    %div3A_4 = arith.divf %broadcast_in_dim3A, %div3A_3 : vector<1x128xf32>
    %sub3A = vector.broadcast %div3A_4 : vector<1x128xf32> to vector<16x128xf32>
    %sub3A_5 = arith.subf %get3A_1, %sub3A : vector<16x128xf32>
    %mul3A = arith.mulf %sub3A_5, %sub3A_5 : vector<16x128xf32>
    %reduce_sum3A_6 = arith.constant dense<0.000000e+00> : vector<128xf32>
    %reduce_sum3A_7 = vector.multi_reduction <add>, %mul3A, %reduce_sum3A_6 [0] : vector<16x128xf32> to vector<128xf32>
    %broadcast_in_dim3A_8 = vector.shape_cast %reduce_sum3A_7 : vector<128xf32> to vector<1x128xf32>
    %div3A_9 = arith.constant 1.600000e+01 : f32
    %div3A_10 = vector.broadcast %div3A_9 : f32 to vector<1x128xf32>
    %div3A_11 = arith.divf %broadcast_in_dim3A_8, %div3A_10 : vector<1x128xf32>
    %get3A_12 = arith.constant 0 : index
    %get3A_13 = arith.constant 0 : index
    %get3A_14 = vector.load %arg1[%get3A_12, %get3A_13] : memref<1x128xf32, #tpu.memory_space<vmem>>, vector<1x128xf32>
    %mul3A_15 = vector.broadcast %get3A_14 : vector<1x128xf32> to vector<16x128xf32>
    %mul3A_16 = arith.mulf %mul3A_15, %sub3A_5 : vector<16x128xf32>
    %add3A = arith.constant 9.99999974E-6 : f32
    %add3A_17 = vector.broadcast %add3A : f32 to vector<1x128xf32>
    %add3A_18 = arith.addf %div3A_11, %add3A_17 : vector<1x128xf32>
    %sqrt3A = math.sqrt %add3A_18 : vector<1x128xf32>
    %div3A_19 = vector.broadcast %sqrt3A : vector<1x128xf32> to vector<16x128xf32>
    %div3A_20 = arith.divf %mul3A_16, %div3A_19 : vector<16x128xf32>
    %get3A_21 = arith.constant 0 : index
    %get3A_22 = arith.constant 0 : index
    %get3A_23 = vector.load %arg2[%get3A_21, %get3A_22] : memref<1x128xf32, #tpu.memory_space<vmem>>, vector<1x128xf32>
    %add3A_24 = vector.broadcast %get3A_23 : vector<1x128xf32> to vector<16x128xf32>
    %add3A_25 = arith.addf %div3A_20, %add3A_24 : vector<16x128xf32>
    %max3A = arith.constant 0.000000e+00 : f32
    %max3A_26 = vector.broadcast %max3A : f32 to vector<16x128xf32>
    %max3A_27 = arith.maximumf %add3A_25, %max3A_26 : vector<16x128xf32>
    %swap3A = arith.constant 0 : index
    %swap3A_28 = arith.constant 0 : index
    %swap3A_29 = vector.load %arg3[%swap3A, %swap3A_28] : memref<16x128xf32, #tpu.memory_space<vmem>>, vector<16x128xf32>
    tpu.vector_store %arg3[%swap3A, %swap3A_28], %max3A_27 {strides = array<i32>} : memref<16x128xf32, #tpu.memory_space<vmem>>, vector<16x128xf32>,
    return
  }
}

module attributes {stable_mosaic.version = 14 : i64} {
  func.func @_fc_kernel(%arg0: memref<16384x128xf32, #tpu.memory_space<vmem>>, %arg1: memref<128x13xf32, #tpu.memory_space<vmem>>, %arg2: memref<1x13xf32, #tpu.memory_space<vmem>>, %arg3: memref<16384x13xf32, #tpu.memory_space<vmem>>) attributes {dimension_semantics = [], scalar_prefetch = 0 : i64, scratch_operands = 0 : i64, tpu.core_type = #tpu.core_type<tc>} {
    %get3A = arith.constant 0 : index
    %get3A_0 = arith.constant 0 : index
    %get3A_1 = vector.load %arg0[%get3A, %get3A_0] : memref<16384x128xf32, #tpu.memory_space<vmem>>, vector<16384x128xf32>
    %get3A_2 = arith.constant 0 : index
    %get3A_3 = arith.constant 0 : index
    %get3A_4 = vector.load %arg1[%get3A_2, %get3A_3] : memref<128x13xf32, #tpu.memory_space<vmem>>, vector<128x13xf32>
    %dot_general3A = arith.constant dense<0.000000e+00> : vector<16384x13xf32>
    %dot_general3A_5 = tpu.matmul %get3A_1, %get3A_4, %dot_general3A {dimension_numbers = #tpu.dot_dimension_numbers<[1], [0], [0], [1], [0, 0, 1, 1], [], []>, transpose_lhs_hint = false} : vector<16384x128xf32>, vector<128x13xf32>, vector<16384x13xf32> -> vector<16384x13xf32>
    %get3A_6 = arith.constant 0 : index
    %get3A_7 = arith.constant 0 : index
    %get3A_8 = vector.load %arg2[%get3A_6, %get3A_7] : memref<1x13xf32, #tpu.memory_space<vmem>>, vector<1x13xf32>
    %add3A = vector.broadcast %get3A_8 : vector<1x13xf32> to vector<16384x13xf32>
    %add3A_9 = arith.addf %dot_general3A_5, %add3A : vector<16384x13xf32>
    %swap3A = arith.constant 0 : index
    %swap3A_10 = arith.constant 0 : index
    %swap3A_11 = vector.load %arg3[%swap3A, %swap3A_10] : memref<16384x13xf32, #tpu.memory_space<vmem>>, vector<16384x13xf32>
    tpu.vector_store %arg3[%swap3A, %swap3A_10], %add3A_9 {strides = array<i32>} : memref<16384x13xf32, #tpu.memory_space<vmem>>, vector<16384x13xf32>,
    return
  }
}

</mosaic_0001>

<sc_bundles>
// kernel: gather_offload_async_start
scs
__scs_entry_jumppad:
0x0: {  	(pc) =	sbr.rel $0x88, $3  }
0x1: {  	(tag) =	ssettag $0x0;
	lr =	simm.s32 $0x1  }
0x2: {  	[smem:$0x3F1B] =	sst lr;
	_ =	strace $0xD0000000  }
0x3: {  	_ = 	snop  }
0x4: {  	_ = 	snop  }
0x5: {  	_ = 	snop  }
0x6: {  	_ = 	snop  }
0x7: {  	_ = 	snop  }
__scs_overlays_trampoline_lowered:
0x8: {  	[smem:$0x3F2A] =	sst s0  }
0x9: {  	[smem:$0x3F2B] =	sst s1  }
0xa: {  	[smem:$0x3F2C] =	sst s2  }
0xb: {  	[smem:$0x3F2D] =	sst s3  }
0xc: {  	[smem:$0x3F2E] =	sst s4  }
0xd: {  	[smem:$0x3F2F] =	sst s5  }
0xe: {  	[smem:$0x3F30] =	sst s6  }
0xf: {  	[smem:$0x3F31] =	sst s7  }
0x10: {  	[smem:$0x3F32] =	sst s8  }
0x11: {  	[smem:$0x3F33] =	sst s9;
	s0 =	simm.s32 @!p0 $0x0  }
0x12: {  	s1 =	sld [smem:$0x3F19];
	s0 =	simm.s32 @p0 $0x1  }
0x13: {  	[smem:$0x3F34] =	sst s0;
	s0 =	simm.s32 @!p1 $0x0  }
0x14: {  	s2 =	sld [smem:$0x3F18];
	s0 =	simm.s32 @p1 $0x1  }
0x15: {  	[smem:$0x3F35] =	sst s0;
	s0 =	simm.s32 @!p2 $0x0  }
0x16: {  	s3 =	sld [smem:$0x3FDB];
	s0 =	simm.s32 @p2 $0x1  }
0x17: {  	s4 =	simm.s32 $0x1BF5;
	[smem:$0x3F37] =	sst s0  }
0x18: {  	s0 =	sld [smem:$0x3F1A];
	_ =	swait.ge [sflag:s4], $0x0  }
0x19: {  	s7 =	sld [smem:$0x3F1B]  }
0x1a: {  	s8 =	sadd.s32 $0xFFFFE003, lr  }
0x1b: {  	s9 =	sadd.s32 $0xFFFFFEF7, lr;
	s5 =	simm.s32 $0xFFFFFFFF;
	p2 =	slt.u32 s8, $0xFFFFF086  }
0x1c: {  	p1 =	slt.u32 s9, $0xF7A;
	s5 =	simm.s32 @!p2 $0x0  }
0x1d: {  	s5 =	simm.s32 @p1 $0x1;
	p0 =	seq.s32 s7, s2  }
0x1e: {  	s7 =	smul.u32 @!p0 $0xF7A, s2;
	p2 =	seq.s32 @!p0 s5, $0x0  }
0x1f: {  	s9 =	smul.u32 $0xF7A, s1;
	s8 =	simm.s32 @!p0 $0x1BF5;
	p2 =	por !p2, p0  }
0x20: {  	[sflag:s8] =	ssyncset.s32 @!p0 $0xFFFFF086;
	s6 =	sadd.s32 @!p0 s3, s7;
	s7 =	simm.s32 @!p0 $0x108  }
0x21: {  	s3 =	sadd.s32 s3, s9;
	s6 =	sadd.s32 @!p0 $0x88, s6;
	s7 =	simm.s32 @p2 $0x1082  }
0x22: {  	[simem:s7], [sflag:s8] =	dma.local @!p0 [hbm:s6], $0xF7A  }
0x23: {  	s9 =	sor.u32 $0xD0000000, s2;
	s6 =	simm.s32 $0x108;
	_ =	swait.ge @!p0 [sflag:s8], $0x0  }
0x24: {  	s3 =	sadd.s32 $0x88, s3;
	s6 =	simm.s32 @!p1 $0x1082;
	[sflag:s4] =	ssyncset.s32 $0xFFFFF086  }
0x25: {  	[simem:s6], [sflag:s4] =	dma.local [hbm:s3], $0xF7A  }
0x26: {  	[smem:$0x3F1B] =	sst s1;
	(tag) =	ssettag s2;
	_ =	strace s9  }
0x27: {  	s1 =	sld [smem:$0x3F2B]  }
0x28: {  	s2 =	sld [smem:$0x3F2C]  }
0x29: {  	s4 =	sld [smem:$0x3F2E]  }
0x2a: {  	p0 =	seq.s32 s5, $0x0;
	s5 =	sld [smem:$0x3F2F]  }
0x2b: {  	s6 =	sld [smem:$0x3F30]  }
0x2c: {  	s7 =	sld [smem:$0x3F31]  }
0x2d: {  	s3 =	simm.s32 $0x108;
	s8 =	sld [smem:$0x3F32]  }
0x2e: {  	s3 =	simm.s32 @!p0 $0x1082;
	s9 =	sld [smem:$0x3F33]  }
0x2f: {  	lr =	sadd.s32 s0, s3;
	s0 =	sld [smem:$0x3F2A]  }
0x30: {  	s3 =	sld [smem:$0x3F2D]  }
0x31: {  	[smem:$0x3F36] =	sst s10  }
0x32: {  	s10 =	sld [smem:$0x3F34];
	_ =	sdelay $0x3  }
0x33: {  	p0 =	seq.s32 s10, $0x1;
	s10 =	sld [smem:$0x3F36];
	_ =	sdelay $0x3  }
0x34: {  	[smem:$0x3F36] =	sst s10  }
0x35: {  	s10 =	sld [smem:$0x3F35];
	_ =	sdelay $0x3  }
0x36: {  	p1 =	seq.s32 s10, $0x1;
	s10 =	sld [smem:$0x3F36];
	_ =	sdelay $0x3  }
0x37: {  	[smem:$0x3F36] =	sst s10  }
0x38: {  	s10 =	sld [smem:$0x3F37]  }
0x39: {  	_ = 	snop;
	(pc) =	sbr.ind lr, $3  }
0x3a: {  	_ = 	snop  }
0x3b: {  	_ = 	snop  }
0x3c: {  	p2 =	seq.s32 s10, $0x1;
	s10 =	sld [smem:$0x3F36]  }
0x3d: {  	_ =	shalt  }
0x3e: {  	_ =	shalt  }
0x3f: {  	_ =	shalt  }
0x40: {  	_ =	shalt  }
0x41: {  	_ =	shalt  }
0x42: {  	_ =	shalt  }
0x43: {  	_ =	shalt  }
0x44: {  	_ =	shalt  }
0x45: {  	_ =	shalt  }
0x46: {  	_ =	shalt  }
0x47: {  	_ =	shalt  }
0x48: {  	_ =	shalt  }
0x49: {  	_ =	shalt  }
0x4a: {  	_ =	shalt  }
0x4b: {  	_ =	shalt  }
0x4c: {  	_ =	shalt  }
0x4d: {  	_ =	shalt  }
0x4e: {  	_ =	shalt  }
0x4f: {  	_ =	shalt  }
0x50: {  	_ =	shalt  }
0x51: {  	_ =	shalt  }
0x52: {  	_ =	shalt  }
0x53: {  	_ =	shalt  }
0x54: {  	_ =	shalt  }
0x55: {  	_ =	shalt  }
0x56: {  	_ =	shalt  }
0x57: {  	_ =	shalt  }
0x58: {  	_ =	shalt  }
0x59: {  	_ =	shalt  }
0x5a: {  	_ =	shalt  }
0x5b: {  	_ =	shalt  }
0x5c: {  	_ =	shalt  }
0x5d: {  	_ =	shalt  }
0x5e: {  	_ =	shalt  }
0x5f: {  	_ =	shalt  }
0x60: {  	_ =	shalt  }
0x61: {  	_ =	shalt  }
0x62: {  	_ =	shalt  }
0x63: {  	_ =	shalt  }
0x64: {  	_ =	shalt  }
0x65: {  	_ =	shalt  }
0x66: {  	_ =	shalt  }
0x67: {  	_ =	shalt  }
0x68: {  	_ =	shalt  }
0x69: {  	_ =	shalt  }
0x6a: {  	_ =	shalt  }
0x6b: {  	_ =	shalt  }
0x6c: {  	_ =	shalt  }
0x6d: {  	_ =	shalt  }
0x6e: {  	_ =	shalt  }
0x6f: {  	_ =	shalt  }
0x70: {  	_ =	shalt  }
0x71: {  	_ =	shalt  }
0x72: {  	_ =	shalt  }
0x73: {  	_ =	shalt  }
0x74: {  	_ =	shalt  }
0x75: {  	_ =	shalt  }
0x76: {  	_ =	shalt  }
0x77: {  	_ =	shalt  }
0x78: {  	_ =	shalt  }
0x79: {  	_ =	shalt  }
0x7a: {  	_ =	shalt  }
0x7b: {  	_ =	shalt  }
0x7c: {  	_ =	shalt  }
0x7d: {  	_ =	shalt  }
0x7e: {  	_ =	shalt  }
0x7f: {  	_ =	shalt  }
0x80: {  	_ =	shalt  }
0x81: {  	_ =	shalt  }
0x82: {  	_ =	shalt  }
0x83: {  	_ =	shalt  }
0x84: {  	_ =	shalt  }
0x85: {  	_ =	shalt  }
0x86: {  	_ =	shalt  }
0x87: {  	_ =	shalt  }
.Lfunc_end0:
.L_simem_size_0:
called_computation.1_lowered:
.L_overlay_start_0:
0x88: {  	s2 =	sld [smem:$0x3FD9]  }
0x89: {  	s3 =	sld [smem:$0x3FFE];
	_ =	sdelay $0x1  }
0x8a: {  	s1 =	srdreg.scid  }
0x8b: {  	s0 =	sand.u32 $0x1, s1  }
0x8c: {  	s14 =	sshll.u32 s0, $0xA;
	s2 =	sadd.s32 s3, s2  }
0x8d: {  	s2 =	sadd.s32 s2, s14  }
0x8e: {  	[smem:$0x3F42] =	sst s2  }
0x8f: {  	_ = 	snop  }
0x90: {  	s2 =	sld [smem:$0x3FD0];
	_ =	sdelay $0x2  }
0x91: {  	s15 =	simm.s32 $0xB;
	s4 =	simm.s32 $0x10  }
0x92: {  	[smem:s4], [sflag:s15] =	dma.local [hbm:s2], $0x1  }
0x93: {  	_ =	swait.eq [sflag:s15], $0x1  }
0x94: {  	[sflag:s15] =	ssyncset.done $0x0  }
0x95: {  	[sflag:s15] =	ssyncadd.s32 $0xFFFFFFFF  }
0x96: {  	s16 =	sld [smem:$0x10];
	(tm) =	ssettm $0x1  }
0x97: {  	s17 =	sld [smem:$0x3FFB];
	_ =	sdelay $0x3  }
0x98: {  	_ =	strace s17  }
0x99: {  	s3 =	sld [smem:$0x3FFC];
	_ =	sdelay $0x3  }
0x9a: {  	_ =	strace s3  }
0x9b: {  	s3 =	sld [smem:$0x3FFD];
	_ =	sdelay $0x3  }
0x9c: {  	_ =	strace s3  }
0x9d: {  	_ =	strace $0x8FFFFFFF  }
0x9e: {  	s18 =	sld [smem:$0x3FDB];
	_ =	sdelay $0x1  }
0x9f: {  	s19 =	simm.s32 $_scs_section_size  }
0xa0: {  	s5 =	simm.s32 $_size__tile_overlayer_lowered;
	s6 =	simm.s32 $_tile_overlayer_lowered  }
0xa1: {  	s22 =	simm.s32 $0x1BFF;
	s21 =	sshll.u32 s6, $0x1;
	s3 =	sadd.s32 s19, s18  }
0xa2: {  	s7 =	simm.s32 $0x0;
	s20 =	sshll.u32 s5, $0x1;
	s5 =	sadd.s32 s21, s3  }
0xa3: {  	[timem:s7], [sflag:s22] =	dma.local [hbm:s5], s20  }
0xa4: {  	_ =	swait.ge [sflag:s22], s20  }
0xa5: {  	s4 =	ssub.s32 $0x0, s20;
	[sflag:s22] =	ssyncset.done $0x0  }
0xa6: {  	[sflag:s22] =	ssyncadd.s32 s4;
	_ =	sdelay $0x1  }
0xa7: {  	s23 =	simm.s32 $0x1B8B  }
0xa8: {  	_ =	swait.ge [sflag:s23], $0x1  }
0xa9: {  	[sflag:s23] =	ssyncset.done $0x0  }
0xaa: {  	s25 =	simm.s32 $0x1B8E;
	s24 =	sld [smem:$0x3FFE];
	[sflag:s23] =	ssyncadd.s32 $0xFFFFFFFF  }
0xab: {  	s26 =	simm.s32 $execute0_lowered;
	[smem:$0x3FD2] =	sst s25  }
0xac: {  	s5 =	sshll.u32 s26, $0x1;
	_ =	strace $0x80000046;
	[dreg:$0x1] =	wrdreg $0xFFFFFFFF  }
0xad: {  	s28 =	simm.s32 $_size_execute0_lowered;
	s3 =	sadd.s32 s3, s5;
	[dreg:$0x0] =	wrdreg $0x0  }
0xae: {  	s5 =	sshll.u32 s28, $0x1;
	[dreg:$0x2] =	wrdreg s3  }
0xaf: {  	[dreg:$0x3] =	wrdreg s5  }
0xb0: {  	[dreg:$0x4] =	wrdreg $0xC0  }
0xb1: {  	_ =	task [dreg:s7], $0x5FFFF  }
0xb2: {  	[dreg:$0x1] =	wrdreg $0xFFFFFFFF  }
0xb3: {  	[dreg:$0x0] =	wrdreg $0x60  }
0xb4: {  	[dreg:$0x2] =	wrdreg s24  }
0xb5: {  	[dreg:$0x3] =	wrdreg s16  }
0xb6: {  	[dreg:$0x4] =	wrdreg $0xA  }
0xb7: {  	_ =	task.clear_ibuf [dreg:s7], $0x5FFFF;
	_ =	strace $0x90000046  }
0xb8: {  	s29 =	simm.s32 $0xA;
	_ =	strace $0x80000048  }
0xb9: {  	_ =	swait.ge [sflag:s29], $0x1  }
0xba: {  	[sflag:s29] =	ssyncadd.s32 $0xFFFFFFFF  }
0xbb: {  	_ =	strace $0x90000048  }
0xbc: {  	_ =	sfence  }
0xbd: {  	s30 =	sld [smem:$0x0];
	_ =	sdelay $0x2  }
0xbe: {  	s31 =	sshll.u32 s1, $0xD;
	s1 =	sshrl.u32 s1, $0x2  }
0xbf: {  	s3 =	sand.u32 $0x4000, s31;
	s1 =	sadd.s32 s1, s30  }
0xc0: {  	s0 =	sor.u32 s3, s0;
	s1 =	sshll.u32 s1, $0x11  }
0xc1: {  	s0 =	sor.u32 s1, s0  }
0xc2: {  	s0 =	sadd.s32 $0x8F2B, s0  }
0xc3: {  	[sflag:s0] =	ssyncadd.remote.s32 $0x1  }
0xc4: {  	_ =	sfence.sel $0xFFFF  }
0xc5: {  	[dreg:$0x0] =	wrdreg $0xFFFFFFFF;
	(pc) =	sbr.abs _section_cstart, $3  }
0xc6: {  	[dreg:$0x1] =	wrdreg $0xFFFFFFFF  }
0xc7: {  	_ =	task.clear_ibuf [dreg:s7], $0x2FFFF;
	_ =	strace $0x9FFFFFFF  }
0xc8: {  	(tm) =	ssettm $0x7FFFFFFF  }
0xc9: {  	_ =	shalt  }
tec
execute0_lowered:
.L_overlay_start_1:
0x0: {  	(tag) =	ssettag $0x1  }
0x1: {  	s0 =	srdreg.scid  }
0x2: {  	s1 =	sshll.u32 s0, $0x4  }
0x3: {  	s0 =	stileid.u32;
	s1 =	sand.u32 $0x10, s1  }
0x4: {  	s2 =	sor.u32 s0, s1  }
0x5: {  	s1 =	sshll.u32 s1, $0x3;
	s2 =	smin.u32 s2, $0x10  }
0x6: {  	s9 =	rddreg [dreg:$0x0];
	s1 =	sxor.u32 $0x80, s1;
	s2 =	sshll.u32 s2, $0x7  }
0x7: {  	s3 =	rddreg [dreg:$0x1];
	s6 =	simm.s32 $0x1;
	s1 =	sadd.s32 s1, s2  }
0x8: {  	s7 =	simm.s32 $0x2;
	s10 =	simm.s32 $0x3;
	s4 =	smin.u32 s1, $0x800  }
0x9: {  	s13 =	simm.s32 $0x0;
	s12 =	simm.s32 $0x0;
	s8 =	ssub.s32 s4, s2  }
.Ltmp0:
0xa: {  	s5 =	sadd.s32 $0x800, s9;
	p0 =	sgt.s32 s8, $0x0;
	(pc) =	sbr.rel .LBB2_1-.Ltmp0, $4  }
0xb: {  	s1 =	rddreg [dreg:$0x2];
	_ =	strace $0x80000047;
	s8 =	simm.s32 @!p0 $0x0  }
0xc: {  	s9 =	sadd.s32 $0x40800, s9;
	[sflag:s6] =	ssyncpa.u1 $0x0;
	s8 =	sadd.s32 $0x7F, s8  }
0xd: {  	s11 =	smov.u32 s2;
	[sflag:s7] =	ssyncpa.u1 $0x0;
	s8 =	sshrl.u32 s8, $0x7  }
0xe: {  	vm0 =	vmmov $0xffff;
	[sflag:s10] =	ssyncpa.u1 $0x0;
	p0 =	por $0x0, $0x0;
	s10 =	sadd.s32 $0x1, s8  }
.LBB2_6:
0xf: {  	[hbm:s17] =	stream.linear.scatter [tilespmem:s14], [sflag:$0x3], $0x100, $0x38;
	[tilespmem:$0x10100] =	vst v63  }
.LBB2_7:
0x10: {  	s13 =	sadd.s32 $0x80, s11  }
0x11: {  	s15 =	smov.u32 s2;
	p2 =	slt.s32 s13, s4  }
0x12: {  	s15 =	smov.u32 @p2 s13;
	p2 =	sne.s32 s12, s10  }
.Ltmp1:
0x13: {  	p1 =	slt.u32 s12, $0x2;
	(pc) =	sbr.rel @!p2 .LBB2_8-.Ltmp1, $4  }
0x14: {  	s14 =	simm.s32 @!p1 $0x3  }
0x15: {  	s16 =	sadd.s32 $0x1, s12;
	_ =	swait.ge @!p1 [sflag:s14], $0x8000  }
0x16: {  	p0 =	por !p0, !p0;
	s13 =	smov.u32 s11;
	[sflag:s14] =	ssyncset.done @!p1 $0x0  }
0x17: {  	s12 =	smov.u32 s16;
	s11 =	smov.u32 s15;
	[sflag:s14] =	ssyncadd.s32 @!p1 $0xFFFF8000  }
.LBB2_1:
0x18: {  	p1 =	sge.u32 s12, s8  }
0x19: {  	s14 =	sxor.u32 @!p1 $0xFFFFFFFF, s12  }
0x1a: {  	s31 =	sadd.s32 $0xFFFFFFFF, s12;
	s15 =	sshrl.u32 @!p1 s11, $0x3;
	s14 =	sshll.u32 @!p1 s14, $0x7  }
0x1b: {  	s16 =	sand.u32 @!p1 $0x7, s11;
	s15 =	sadd.s32 @!p1 s3, s15;
	s14 =	sand.u32 @!p1 $0x80, s14  }
0x1c: {  	[tilespmem:s14], [sflag:$0x2] =	stream.linear.gather @!p1 [hbm4b:s15+s16], $0x80, $0x38;
	[tilespmem:$0x10100] =	vst v63  }
0x1d: {  	p1 =	sge.u32 s31, s8  }
.Ltmp2:
0x1e: {  	_ = 	snop;
	(pc) =	sbr.rel @p1 .LBB2_7-.Ltmp2, $1  }
0x1f: {  	_ =	sdelay $0x3  }
0x20: {  	s14 =	simm.s32 $0x1  }
0x21: {  	_ =	swait.ge [sflag:s7], $0x80;
	s14 =	simm.s32 @!p0 $0x0  }
0x22: {  	[sflag:s7] =	ssyncset.done $0x0;
	s15 =	sshll.u32 s14, $0x7  }
0x23: {  	[sflag:s7] =	ssyncadd.s32 $0xFFFFFF80;
	s16 =	sadd.s32 $0x0, s15  }
0x24: {  	v0 =	vld.msk [tilespmem:s16+$0x0 ss:$0x1], $0xffff;
	_ =	sdelay $0x4  }
0x25: {  	vm1 =	vgt.s32 v0, $0x0  }
0x26: {  	v0 =	vnsel vm1, $0x0, v0  }
0x27: {  	v0 =	vmin.u32 v0, $0x1FFF  }
0x28: {  	v0 =	vshll.u32 v0, $0x5;
	_ =	sdelay $0x2  }
0x29: {  	s14 =	sshll.u32 s14, $0xF  }
0x2a: {  	s14 =	sor.u32 $0x100, s14;
	s31 =	sadd.s32 $0x10, s15  }
0x2b: {  	[tilespmem:s14], [sflag:$0x1] =	stream.indirect_vreg.gather [hbm:s5], $0x100, v0, vm0, $0x38;
	[tilespmem:$0x10100] =	vst v63  }
0x2c: {  	s17 =	simm.s32 $0x80;
	s16 =	smov.u32 s14;
	v0 =	vld.msk [tilespmem:s31+$0x0 ss:$0x1], $0xffff  }
.LBB2_3:
0x2d: {  	p1 =	sne.s32 s17, $0x1C0;
	_ =	sdelay $0x4  }
0x2e: {  	vm1 =	vgt.s32 v0, $0x0  }
0x2f: {  	v0 =	vnsel vm1, $0x0, v0  }
0x30: {  	v0 =	vmin.u32 v0, $0x1FFF  }
0x31: {  	v0 =	vshll.u32 v0, $0x5;
	_ =	sdelay $0x1  }
.Ltmp3:
0x32: {  	(pc) =	sbr.rel @p1 .LBB2_3-.Ltmp3, $4  }
0x33: {  	s18 =	sshra.s32 s17, $0x2  }
0x34: {  	s16 =	sadd.s32 $0x1000, s16;
	s18 =	sadd.s32 s18, s15  }
0x35: {  	[tilespmem:s16], [sflag:$0x1] =	stream.indirect_vreg.gather [hbm:s5], $0x100, v0, vm0, $0x38;
	[tilespmem:$0x10100] =	vst v63  }
0x36: {  	s17 =	sadd.s32 $0x40, s17;
	v0 =	vld.msk [tilespmem:s18+$0x0 ss:$0x1], $0xffff  }
0x37: {  	_ =	sdelay $0x3  }
0x38: {  	vm1 =	vgt.s32 v0, $0x0  }
0x39: {  	v0 =	vnsel vm1, $0x0, v0  }
0x3a: {  	v0 =	vmin.u32 v0, $0x1FFF  }
0x3b: {  	v0 =	vshll.u32 v0, $0x5;
	_ =	sdelay $0x3  }
0x3c: {  	s15 =	sadd.s32 $0x1000, s16  }
0x3d: {  	[tilespmem:s15], [sflag:$0x1] =	stream.indirect_vreg.gather [hbm:s5], $0x100, v0, vm0, $0x38;
	[tilespmem:$0x10100] =	vst v63  }
0x3e: {  	s13 =	sshll.u32 s13, $0x5;
	_ =	swait.ge [sflag:s6], $0x8000  }
0x3f: {  	s16 =	sadd.s32 $0x100, s14;
	s13 =	sadd.s32 s13, s9;
	[sflag:s6] =	ssyncset.done $0x0  }
0x40: {  	s17 =	sadd.s32 $0x0, s13;
	s15 =	simm.s32 $0x20;
	[sflag:s6] =	ssyncadd.s32 $0xFFFF8000  }
.LBB2_5:
0x41: {  	[hbm:s17] =	stream.linear.scatter [tilespmem:s14], [sflag:$0x3], $0x100, $0x38;
	[tilespmem:$0x10100] =	vst v63  }
0x42: {  	s17 =	smov.u32 s15;
	s14 =	smov.u32 s16;
	p1 =	sne.s32 s15, $0xFE0  }
.Ltmp4:
0x43: {  	s15 =	sadd.s32 $0x20, s15;
	(pc) =	sbr.rel @p1 .LBB2_5-.Ltmp4, $2  }
0x44: {  	_ =	sdelay $0x2  }
0x45: {  	s16 =	sadd.s32 $0x100, s16;
	s17 =	sadd.s32 s17, s13  }
.Ltmp5:
0x46: {  	_ = 	snop;
	(pc) =	sbr.rel .LBB2_6-.Ltmp5, $1  }
0x47: {  	_ =	sdelay $0x3  }
.LBB2_8:
0x48: {  	_ =	sfence.sel $0x180000  }
0x49: {  	s2 =	simm.s32 $0x2;
	[bflag:$0x0] =	sbarrier.arrive $0xFFFF  }
0x4a: {  	s30 =	simm.s32 $0x3;
	[sflag:s2] =	ssyncpa.u1 $0x1  }
0x4b: {  	s31 =	simm.s32 $0x1;
	[sflag:s30] =	ssyncpa.u1 $0x1  }
0x4c: {  	[sflag:s31] =	ssyncpa.u1 $0x1  }
0x4d: {  	p0 =	sne.s32 s0, $0x0;
	_ =	strace $0x90000047  }
0x4e: {  	s0 =	sadd.s32 @!p0 $0x100000, s1;
	[bflag:$0x2] =	sbarrier.arrive $0xFFFF  }
0x4f: {  	[sflag:s0] =	ssyncadd.tile.s32 @!p0 $0x1;
	_ =	shalt  }
.Lfunc_end2:
_tile_overlayer_lowered:
.L_overlay_start_2:
0x50: {  	(tag) =	ssettag $0x2  }
0x51: {  	s0 =	rddreg [dreg:$0x0];
	s2 =	stileid.u32  }
0x52: {  	s1 =	rddreg [dreg:$0x1];
	p0 =	sne.s32 s2, $0x0  }
0x53: {  	s3 =	rddreg [dreg:$0x2];
	[bflag:$0x3] =	sbarrier.arrive $0xFFFF;
	s2 =	simm.s32 @!p0 $0x1C01  }
0x54: {  	[timem:s3], [sflag:s2] =	dma.local @!p0 [hbm:s0], s1  }
0x55: {  	s0 =	simm.s32 @!p0 $0x1  }
0x56: {  	_ =	swait.ge @!p0 [sflag:s0], s1  }
0x57: {  	s1 =	ssub.s32 @!p0 $0x0, s1;
	[sflag:s0] =	ssyncset.done @!p0 $0x0  }
0x58: {  	[sflag:s0] =	ssyncadd.s32 @!p0 s1  }
0x59: {  	[bflag:$0x3] =	sbarrier.arrive $0xFFFF  }
0x5a: {  	_ =	shalt  }

// kernel: sparse-core-data-format-call.cloned.1.call-start
scs
called_computation_lowered:
.L_overlay_start_0:
0x0: {  	s2 =	sld [smem:$0x3FD9]  }
0x1: {  	s3 =	sld [smem:$0x3FFE];
	_ =	sdelay $0x1  }
0x2: {  	s1 =	srdreg.scid  }
0x3: {  	s0 =	sand.u32 $0x1, s1  }
0x4: {  	s18 =	sshll.u32 s0, $0xA;
	s2 =	sadd.s32 s3, s2  }
0x5: {  	s2 =	sadd.s32 s2, s18  }
0x6: {  	[smem:$0x3F42] =	sst s2  }
0x7: {  	_ = 	snop  }
0x8: {  	(tm) =	ssettm $0x1  }
0x9: {  	s19 =	sld [smem:$0x3FFB];
	_ =	sdelay $0x3  }
0xa: {  	_ =	strace s19  }
0xb: {  	s2 =	sld [smem:$0x3FFC];
	_ =	sdelay $0x3  }
0xc: {  	_ =	strace s2  }
0xd: {  	s2 =	sld [smem:$0x3FFD];
	_ =	sdelay $0x3  }
0xe: {  	_ =	strace s2  }
0xf: {  	_ =	strace $0x8FFFFFFF  }
0x10: {  	s20 =	sld [smem:$0x3FDB];
	_ =	sdelay $0x1  }
0x11: {  	s21 =	simm.s32 $_scs_section_size  }
0x12: {  	s4 =	simm.s32 $_size__tile_overlayer_lowered;
	s5 =	simm.s32 $_tile_overlayer_lowered  }
0x13: {  	s6 =	simm.s32 $0x1BFF;
	s22 =	sshll.u32 s5, $0x1;
	s3 =	sadd.s32 s21, s20  }
0x14: {  	s23 =	simm.s32 $0x0;
	s4 =	sshll.u32 s4, $0x1;
	s5 =	sadd.s32 s22, s3  }
0x15: {  	[timem:s23], [sflag:s6] =	dma.local [hbm:s5], s4  }
0x16: {  	_ =	swait.ge [sflag:s6], s4  }
0x17: {  	s4 =	ssub.s32 $0x0, s4;
	[sflag:s6] =	ssyncset.done $0x0  }
0x18: {  	[sflag:s6] =	ssyncadd.s32 s4;
	_ =	sdelay $0x1  }
0x19: {  	s24 =	simm.s32 $0x1B8B  }
0x1a: {  	_ =	swait.ge [sflag:s24], $0x1  }
0x1b: {  	[sflag:s24] =	ssyncset.done $0x0  }
0x1c: {  	[sflag:s24] =	ssyncadd.s32 $0xFFFFFFFF  }
0x1d: {  	s4 =	sld [smem:$0x0]  }
0x1e: {  	s5 =	sand.u32 $0xFFFFFFFE, s1  }
0x1f: {  	p0 =	sne.s32 s1, s5  }
0x20: {  	s5 =	sshll.u32 @p0 s5, $0xE  }
0x21: {  	s5 =	sadd.s32 @p0 $0x11B8D, s5;
	s6 =	sshll.u32 @p0 s4, $0x11  }
0x22: {  	s5 =	sor.u32 @p0 s6, s5  }
0x23: {  	[sflag:s5] =	ssyncadd.remote.s32 @p0 $0x1;
	_ =	sdelay $0x1  }
0x24: {  	s5 =	simm.s32 @p0 $0x1B8D  }
0x25: {  	_ =	swait.eq @p0 [sflag:s5], $0x1  }
0x26: {  	[sflag:s5] =	ssyncadd.s32 @p0 $0xFFFFFFFF  }
0x27: {  	s6 =	sshll.u32 @!p0 s1, $0xE  }
0x28: {  	s6 =	sor.u32 @!p0 $0x4000, s6;
	s5 =	simm.s32 @!p0 $0x1B8D  }
0x29: {  	s4 =	sshll.u32 @!p0 s4, $0x11;
	s6 =	sadd.s32 @!p0 $0x11B8D, s6;
	_ =	swait.eq @!p0 [sflag:s5], $0x1  }
0x2a: {  	s4 =	sor.u32 @!p0 s4, s6;
	[sflag:s5] =	ssyncadd.s32 @!p0 $0xFFFFFFFF  }
0x2b: {  	s26 =	simm.s32 $0x1B8E;
	s25 =	sld [smem:$0x3FFE];
	[sflag:s4] =	ssyncadd.remote.s32 @!p0 $0x1  }
0x2c: {  	s27 =	simm.s32 $execute0_lowered;
	[smem:$0x3FD2] =	sst s26  }
0x2d: {  	s5 =	sshll.u32 s27, $0x1;
	_ =	strace $0x80000049;
	[dreg:$0x1] =	wrdreg $0xFFFFFFFF  }
0x2e: {  	s28 =	simm.s32 $_size_execute0_lowered;
	s3 =	sadd.s32 s3, s5;
	[dreg:$0x0] =	wrdreg $0x0  }
0x2f: {  	s5 =	sshll.u32 s28, $0x1;
	[dreg:$0x2] =	wrdreg s3  }
0x30: {  	[dreg:$0x3] =	wrdreg s5  }
0x31: {  	[dreg:$0x4] =	wrdreg $0xC0  }
0x32: {  	_ =	task [dreg:s23], $0x5FFFF  }
0x33: {  	[dreg:$0x1] =	wrdreg $0xFFFFFFFF  }
0x34: {  	[dreg:$0x0] =	wrdreg $0x60  }
0x35: {  	[dreg:$0x2] =	wrdreg s25  }
0x36: {  	[dreg:$0x3] =	wrdreg $0x9  }
0x37: {  	_ =	task.clear_ibuf [dreg:s23], $0x4FFFF;
	_ =	strace $0x90000049  }
0x38: {  	s29 =	simm.s32 $0x9;
	_ =	strace $0x8000004B  }
0x39: {  	_ =	swait.ge [sflag:s29], $0x1  }
0x3a: {  	[sflag:s29] =	ssyncadd.s32 $0xFFFFFFFF  }
0x3b: {  	_ =	strace $0x9000004B  }
0x3c: {  	_ =	sfence  }
0x3d: {  	s30 =	sld [smem:$0x0];
	_ =	sdelay $0x2  }
0x3e: {  	s31 =	sshll.u32 s1, $0xD;
	s1 =	sshrl.u32 s1, $0x2  }
0x3f: {  	s4 =	sand.u32 $0x4000, s31;
	s1 =	sadd.s32 s1, s30  }
0x40: {  	s0 =	sor.u32 s4, s0;
	s1 =	sshll.u32 s1, $0x11  }
0x41: {  	s0 =	sor.u32 s1, s0  }
0x42: {  	s0 =	sadd.s32 $0x8F2B, s0  }
0x43: {  	[sflag:s0] =	ssyncadd.remote.s32 $0x1  }
0x44: {  	_ =	sfence.sel $0xFFFF  }
0x45: {  	[dreg:$0x0] =	wrdreg $0xFFFFFFFF;
	(pc) =	sbr.abs _section_cstart, $3  }
0x46: {  	[dreg:$0x1] =	wrdreg $0xFFFFFFFF  }
0x47: {  	_ =	task.clear_ibuf [dreg:s23], $0x2FFFF;
	_ =	strace $0x9FFFFFFF  }
0x48: {  	(tm) =	ssettm $0x7FFFFFFF  }
0x49: {  	_ =	shalt  }
tec
execute0_lowered:
.L_overlay_start_1:
0x0: {  	(tag) =	ssettag $0x1  }
0x1: {  	s0 =	stileid.u32  }
0x2: {  	s1 =	srdreg.scid;
	s5 =	rddreg [dreg:$0x0];
	s31 =	simm.s32 $0x2  }
0x3: {  	s16 =	simm.s32 $0x0;
	s2 =	sshll.u32 s0, $0x6;
	s1 =	sshll.u32 s1, $0xA  }
0x4: {  	s9 =	simm.s32 $0x10000;
	s14 =	simm.s32 $0x0;
	s1 =	sor.u32 s2, s1  }
0x5: {  	s15 =	simm.s32 $0x0;
	s10 =	simm.s32 $0x0;
	s1 =	sand.u32 $0x780, s1  }
0x6: {  	s13 =	simm.s32 $0x0;
	s2 =	sand.u32 $0x1, s0;
	s3 =	ssub.s32 $0x2000, s1  }
0x7: {  	s4 =	ssub.s32 $0x2, s2;
	s12 =	smov.u32 s2;
	s6 =	sand.u32 $0x780, s3  }
0x8: {  	s7 =	sshrl.u32 s4, $0x1;
	p0 =	sne.s32 s6, $0x0;
	s6 =	simm.s32 $0x1  }
0x9: {  	s4 =	sand.u32 $0x1, s4;
	s8 =	sshrl.u32 s3, $0xB;
	s6 =	simm.s32 @!p0 $0x0  }
.Ltmp0:
0xa: {  	s4 =	sadd.s32 s4, s7;
	s6 =	sadd.s32 s6, s8;
	(pc) =	sbr.rel .LBB1_1-.Ltmp0, $4  }
0xb: {  	s11 =	smov.u32 s1;
	s3 =	rddreg [dreg:$0x1];
	s7 =	smul.u32 s6, s4  }
0xc: {  	_ =	strace $0x8000004A;
	p0 =	por $0x0, $0x0;
	s6 =	simm.s32 $0x1  }
0xd: {  	s4 =	sadd.s32 $0x50800, s5;
	[sflag:s6] =	ssyncpa.u1 $0x0;
	s7 =	sshll.u32 s7, $0x6  }
0xe: {  	s5 =	sadd.s32 $0x1050800, s5;
	[sflag:s31] =	ssyncpa.u1 $0x0;
	s8 =	sor.u32 $0x1, s7  }
.LBB1_4:
0xf: {  	v5 =	vld [tilespmem:s19+$0xFFFFFFD0]  }
0x10: {  	[tilespmem:s20+$0x2040 ss:$0x81] =	vst.msk $0xffff, v1;
	v58 =	vld [tilespmem:s19+$0xFFFFFFE0]  }
0x11: {  	[tilespmem:s20+$0x2850 ss:$0x81] =	vst.msk $0xffff, v2;
	v59 =	vld [tilespmem:s19+$0xFFFFFFF0]  }
0x12: {  	s21 =	sshra.s32 s21, $0x2;
	[tilespmem:s20+$0x3060 ss:$0x81] =	vst.msk $0xffff, v3;
	v60 =	vld [tilespmem:s19+$0x0]  }
0x13: {  	[tilespmem:s20+$0x0 ss:$0x81] =	vst.msk $0xffff, v0;
	v61 =	vld [tilespmem:s19+$0x10];
	s18 =	sadd.s32 s21, s18  }
0x14: {  	s26 =	sshll.u32 s16, $0xD;
	v62 =	vld [tilespmem:s19+$0x20];
	[tilespmem:s18+$0x3870 ss:$0x81] =	vst.msk $0xffff, v4  }
0x15: {  	s27 =	sand.u32 $0x78, s14;
	s22 =	sshll.u32 s14, $0x3;
	v63 =	vld [tilespmem:s19+$0xFFFFFFC0];
	s29 =	sshll.u32 s16, $0x7;
	[tilespmem:s18+$0x810 ss:$0x81] =	vst.msk $0xffff, v5  }
0x16: {  	s15 =	sshll.u32 s15, $0x17;
	s20 =	sand.u32 $0x3FF0000, s26;
	s28 =	sand.u32 $0x3FFFC00, s22;
	[tilespmem:s18+$0x1020 ss:$0x81] =	vst.msk $0xffff, v58  }
0x17: {  	s31 =	sand.u32 $0x7, s14;
	s22 =	sand.u32 $0x1C00, s22;
	s19 =	sadd.s32 s28, s20;
	[tilespmem:s18+$0x1830 ss:$0x81] =	vst.msk $0xffff, v59  }
0x18: {  	s16 =	sand.u32 $0x380, s29;
	s30 =	sor.u32 s27, s22;
	s19 =	sshrl.u32 s19, $0x3;
	[tilespmem:s18+$0x2040 ss:$0x81] =	vst.msk $0xffff, v60  }
0x19: {  	s15 =	sadd.s32 s5, s15;
	s16 =	sor.u32 s16, s30;
	s19 =	sand.u32 $0x7FFC00, s19;
	[tilespmem:s18+$0x2850 ss:$0x81] =	vst.msk $0xffff, v61  }
0x1a: {  	s14 =	sshll.u32 s31, $0x12;
	s16 =	sshrl.u32 s16, $0x3;
	[tilespmem:s18+$0x3060 ss:$0x81] =	vst.msk $0xffff, v62;
	s15 =	sadd.s32 s19, s15  }
0x1b: {  	s14 =	sor.u32 $0x400, s14;
	[tilespmem:s18+$0x0 ss:$0x81] =	vst.msk $0xffff, v63;
	s15 =	sadd.s32 s16, s15  }
0x1c: {  	[hbm4b:s15+s14] =	stream.strided.scatter [tilespmem:s17], [sflag:$0x2], $0x4000, s9, s14, $0x20;
	[tilespmem:$0x10100] =	vst v63  }
.LBB1_5:
0x1d: {  	s17 =	sadd.s32 $0x80, s10  }
0x1e: {  	s14 =	sadd.s32 $0x800, s11;
	s18 =	smov.u32 s11;
	p2 =	sgt.s32 s17, $0x1FFF  }
0x1f: {  	s18 =	smov.u32 @p2 s14  }
0x20: {  	s20 =	smov.u32 s12;
	s14 =	sadd.s32 $0x2, s12;
	p3 =	sgt.s32 s18, $0x1FFF  }
0x21: {  	s20 =	smov.u32 @p3 s14  }
0x22: {  	s17 =	simm.s32 @p2 $0x0;
	p2 =	sgt.s32 s20, $0x1  }
0x23: {  	p1 =	slt.u32 s13, $0x2;
	s20 =	smov.u32 @p2 s2;
	p2 =	sne.s32 s13, s8  }
.Ltmp1:
0x24: {  	s19 =	simm.s32 @!p1 $0x2;
	(pc) =	sbr.rel @!p2 .LBB1_6-.Ltmp1, $4  }
0x25: {  	s16 =	smov.u32 s10;
	s15 =	smov.u32 s12;
	_ =	swait.ge @!p1 [sflag:s19], $0x4000  }
0x26: {  	p0 =	por !p0, !p0;
	[sflag:s19] =	ssyncset.done @!p1 $0x0;
	s10 =	smov.u32 s17  }
0x27: {  	s18 =	smov.u32 @p3 s1;
	s14 =	smov.u32 s11;
	[sflag:s19] =	ssyncadd.s32 @!p1 $0xFFFFC000  }
0x28: {  	s11 =	smov.u32 s18;
	s13 =	sadd.s32 $0x1, s13;
	s12 =	smov.u32 s20  }
.LBB1_1:
0x29: {  	p1 =	sge.u32 s13, s7;
	s31 =	sadd.s32 $0xFFFFFFFF, s13  }
0x2a: {  	s17 =	sxor.u32 @!p1 $0xFFFFFFFF, s13;
	s18 =	sand.u32 @!p1 $0x78, s10;
	s19 =	sshll.u32 @!p1 s11, $0xD  }
0x2b: {  	s20 =	sshll.u32 @!p1 s11, $0x7;
	s21 =	sshll.u32 @!p1 s10, $0x3;
	s17 =	sshll.u32 @!p1 s17, $0xE  }
0x2c: {  	s19 =	sand.u32 @!p1 $0x3FF0000, s19;
	s20 =	sand.u32 @!p1 $0x380, s20;
	s17 =	sand.u32 @!p1 $0x4000, s17  }
0x2d: {  	s19 =	sadd.s32 @!p1 s19, s21;
	s21 =	sand.u32 @!p1 $0x1C00, s21;
	s18 =	sor.u32 @!p1 s20, s18  }
0x2e: {  	s20 =	sshll.u32 @!p1 s12, $0x17;
	s18 =	sor.u32 @!p1 s21, s18;
	s19 =	sshrl.u32 @!p1 s19, $0x3  }
0x2f: {  	s20 =	sadd.s32 @!p1 s4, s20;
	s21 =	sand.u32 @!p1 $0x7, s10;
	s19 =	sand.u32 @!p1 $0x7FFC00, s19  }
0x30: {  	s18 =	sshrl.u32 @!p1 s18, $0x3;
	s19 =	sadd.s32 @!p1 s19, s20;
	s20 =	sshll.u32 @!p1 s21, $0x12  }
0x31: {  	s18 =	sadd.s32 @!p1 s18, s19;
	s19 =	sor.u32 @!p1 $0x400, s20;
	s20 =	simm.s32 @!p1 $0x10000  }
0x32: {  	[tilespmem:s17], [sflag:$0x1] =	stream.strided.gather @!p1 [hbm4b:s18+s19], $0x4000, s20, s19, $0x38;
	[tilespmem:$0x10100] =	vst v63  }
0x33: {  	p1 =	sge.u32 s31, s7  }
.Ltmp2:
0x34: {  	_ = 	snop;
	(pc) =	sbr.rel @p1 .LBB1_5-.Ltmp2, $1  }
0x35: {  	_ =	sdelay $0x3  }
0x36: {  	s17 =	simm.s32 $0x1  }
0x37: {  	_ =	swait.ge [sflag:s6], $0x4000;
	s17 =	simm.s32 @!p0 $0x0  }
0x38: {  	[sflag:s6] =	ssyncset.done $0x0;
	s18 =	sshll.u32 s17, $0xE  }
0x39: {  	[sflag:s6] =	ssyncadd.s32 $0xFFFFC000;
	s19 =	sor.u32 $0x40, s18  }
0x3a: {  	s17 =	smul.u32 $0x10200, s17;
	v0 =	vld [tilespmem:s19+$0x30]  }
0x3b: {  	v3 =	vld [tilespmem:s19+$0xFFFFFFD0]  }
0x3c: {  	s17 =	sshrl.u32 s17, $0x2;
	v4 =	vld [tilespmem:s19+$0xFFFFFFE0]  }
0x3d: {  	v5 =	vld [tilespmem:s19+$0xFFFFFFF0];
	s18 =	sor.u32 $0x8000, s17  }
0x3e: {  	s31 =	sand.u32 $0x1, s13;
	v1 =	vld [tilespmem:s19+$0x0];
	s20 =	sadd.s32 $0x0, s18  }
0x3f: {  	v2 =	vld [tilespmem:s19+$0x10];
	s17 =	smul.u32 $0x10200, s31;
	[tilespmem:s20+$0x3870 ss:$0x81] =	vst.msk $0xffff, v0  }
0x40: {  	[tilespmem:s20+$0x810 ss:$0x81] =	vst.msk $0xffff, v3;
	v3 =	vld [tilespmem:s19+$0x20]  }
0x41: {  	s17 =	sshrl.u32 s17, $0x2;
	v0 =	vld [tilespmem:s19+$0xFFFFFFC0];
	[tilespmem:s20+$0x1020 ss:$0x81] =	vst.msk $0xffff, v4;
	s19 =	sadd.s32 $0x80, s19  }
0x42: {  	s21 =	simm.s32 $0x4;
	s22 =	simm.s32 $0x8;
	s17 =	sor.u32 $0x8000, s17;
	[tilespmem:s20+$0x1830 ss:$0x81] =	vst.msk $0xffff, v5;
	v4 =	vld [tilespmem:s19+$0x30]  }
.LBB1_3:
0x43: {  	p1 =	sne.s32 s22, $0x1FC;
	v5 =	vld [tilespmem:s19+$0xFFFFFFD0];
	[tilespmem:s20+$0x2040 ss:$0x81] =	vst.msk $0xffff, v1  }
0x44: {  	v6 =	vld [tilespmem:s19+$0xFFFFFFE0];
	[tilespmem:s20+$0x2850 ss:$0x81] =	vst.msk $0xffff, v2  }
0x45: {  	s23 =	sshra.s32 s21, $0x2;
	s21 =	smov.u32 s22;
	v7 =	vld [tilespmem:s19+$0xFFFFFFF0];
	[tilespmem:s20+$0x3060 ss:$0x81] =	vst.msk $0xffff, v3  }
.Ltmp3:
0x46: {  	v1 =	vld [tilespmem:s19+$0x0];
	[tilespmem:s20+$0x0 ss:$0x81] =	vst.msk $0xffff, v0;
	s20 =	sadd.s32 s23, s18;
	(pc) =	sbr.rel @p1 .LBB1_3-.Ltmp3, $4  }
0x47: {  	v2 =	vld [tilespmem:s19+$0x10];
	[tilespmem:s20+$0x3870 ss:$0x81] =	vst.msk $0xffff, v4  }
0x48: {  	[tilespmem:s20+$0x810 ss:$0x81] =	vst.msk $0xffff, v5;
	v3 =	vld [tilespmem:s19+$0x20]  }
0x49: {  	v0 =	vld [tilespmem:s19+$0xFFFFFFC0];
	[tilespmem:s20+$0x1020 ss:$0x81] =	vst.msk $0xffff, v6;
	s19 =	sadd.s32 $0x80, s19  }
0x4a: {  	s22 =	sadd.s32 $0x4, s22;
	v4 =	vld [tilespmem:s19+$0x30];
	[tilespmem:s20+$0x1830 ss:$0x81] =	vst.msk $0xffff, v7  }
.Ltmp4:
0x4b: {  	_ = 	snop;
	(pc) =	sbr.rel .LBB1_4-.Ltmp4, $1  }
0x4c: {  	_ =	sdelay $0x3  }
.LBB1_6:
0x4d: {  	_ =	sfence.sel $0x180000  }
0x4e: {  	s1 =	simm.s32 $0x1;
	[bflag:$0x0] =	sbarrier.arrive $0xFFFF  }
0x4f: {  	s31 =	simm.s32 $0x2;
	[sflag:s1] =	ssyncpa.u1 $0x1  }
0x50: {  	[sflag:s31] =	ssyncpa.u1 $0x1  }
0x51: {  	p0 =	sne.s32 s0, $0x0;
	_ =	strace $0x9000004A  }
0x52: {  	s0 =	sadd.s32 @!p0 $0x100000, s3;
	[bflag:$0x2] =	sbarrier.arrive $0xFFFF  }
0x53: {  	[sflag:s0] =	ssyncadd.tile.s32 @!p0 $0x1;
	_ =	shalt  }
.Lfunc_end1:
_tile_overlayer_lowered:
.L_overlay_start_2:
0x54: {  	(tag) =	ssettag $0x2  }
0x55: {  	s0 =	rddreg [dreg:$0x0];
	s2 =	stileid.u32  }
0x56: {  	s1 =	rddreg [dreg:$0x1];
	p0 =	sne.s32 s2, $0x0  }
0x57: {  	s3 =	rddreg [dreg:$0x2];
	[bflag:$0x3] =	sbarrier.arrive $0xFFFF;
	s2 =	simm.s32 @!p0 $0x1C01  }
0x58: {  	[timem:s3], [sflag:s2] =	dma.local @!p0 [hbm:s0], s1  }
0x59: {  	s0 =	simm.s32 @!p0 $0x1  }
0x5a: {  	_ =	swait.ge @!p0 [sflag:s0], s1  }
0x5b: {  	s1 =	ssub.s32 @!p0 $0x0, s1;
	[sflag:s0] =	ssyncset.done @!p0 $0x0  }
0x5c: {  	[sflag:s0] =	ssyncadd.s32 @!p0 s1  }
0x5d: {  	[bflag:$0x3] =	sbarrier.arrive $0xFFFF  }
0x5e: {  	_ =	shalt  }

</sc_bundles>
